<compile_context>
chip_gen: v7x
topology: tpu7x:2x2x1
jax: 0.10.2.dev20260603
libtpu: 0.0.44.dev20260713+nightly
codegen_flags: <defaults>
</compile_context>

<pallas_src>
import functools

import jax
import jax.numpy as jnp
from jax import lax
from jax.experimental import pallas as pl
from jax.experimental.pallas import tpu as pltpu
from jax.experimental.pallas import tpu_sc as plsc

O = 10000
T = 320000
D = 128
N = O + T

NC, NS = 2, 16
NW = NC * NS
EPW = T // NW
CH = 80
NCH = EPW // CH
OPAD = 10240
RPT = OPAD // NS
INV_SQRT2 = 0.7071067811865476
SQRT2 = 1.4142135623730951

BR = 10000
NBO = O // BR
NBP = T // BR
NBMID = (T - O) // BR

_MESH = plsc.VectorSubcoreMesh(core_axis_name="c", subcore_axis_name="s")


def _hist_body(o3, hist_out, hist_sh, idx_v, ones_v, zbuf):
    core = lax.axis_index("c")
    sub = lax.axis_index("s")
    wid = sub * NC + core

    def _z(i, carry):
        zbuf[pl.ds(i * 16, 16)] = jnp.zeros((16,), jnp.int32)
        return carry

    lax.fori_loop(0, RPT // 16, _z, 0)

    def _o(i, carry):
        ones_v[pl.ds(i * 16, 16)] = jnp.ones((16,), jnp.int32)
        return carry

    lax.fori_loop(0, CH // 16, _o, 0)

    pltpu.sync_copy(zbuf, hist_sh.at[pl.ds(sub * RPT, RPT)])
    plsc.subcore_barrier()

    pltpu.sync_copy(o3.at[wid], idx_v)

    def _step(c, carry):
        pltpu.sync_copy(ones_v, hist_sh.at[idx_v.at[c]], add=True)
        return carry

    lax.fori_loop(0, NCH, _step, 0)
    plsc.subcore_barrier()
    pltpu.sync_copy(
        hist_sh.at[pl.ds(sub * RPT, RPT)],
        hist_out.at[core, pl.ds(sub * RPT, RPT)],
    )


_hist_call = pl.kernel(
    _hist_body,
    out_type=jax.ShapeDtypeStruct((NC, OPAD), jnp.int32),
    mesh=_MESH,
    scratch_types=[
        pltpu.VMEM_SHARED((OPAD,), jnp.int32),
        pltpu.VMEM((NCH, CH), jnp.int32),
        pltpu.VMEM((CH,), jnp.int32),
        pltpu.VMEM((RPT,), jnp.int32),
    ],
)


def _prep_body(hist, obj, scaled, scaled2, dinv, invdeg):
    h = hist[...].astype(jnp.float32)
    ones = jnp.ones((NC, 1), jnp.float32)
    deg = lax.dot_general(h, ones, (((0,), (0,)), ((), ())),
                          preferred_element_type=jnp.float32) + 2.0
    dv = lax.rsqrt(deg)
    dinv[...] = dv
    invdeg[...] = 1.0 / deg
    s = obj[...] * dv
    scaled[...] = s
    scaled2[...] = s * SQRT2


BRK = 2048

_prep_call = pl.pallas_call(
    _prep_body,
    grid=(OPAD // BRK,),
    in_specs=[
        pl.BlockSpec((NC, BRK), lambda i: (0, i)),
        pl.BlockSpec((BRK, D), lambda i: (i, 0)),
    ],
    out_specs=[
        pl.BlockSpec((BRK, D), lambda i: (i, 0)),
        pl.BlockSpec((BRK, D), lambda i: (i, 0)),
        pl.BlockSpec((BRK, 1), lambda i: (i, 0)),
        pl.BlockSpec((BRK, 1), lambda i: (i, 0)),
    ],
    out_shape=[
        jax.ShapeDtypeStruct((O, D), jnp.float32),
        jax.ShapeDtypeStruct((O, D), jnp.float32),
        jax.ShapeDtypeStruct((O, 1), jnp.float32),
        jax.ShapeDtypeStruct((O, 1), jnp.float32),
    ],
)


def _gather_body(tab, s3, y1, idx_v, rows0, rows1, rows2, sem0, sem1, sem2):
    core = lax.axis_index("c")
    sub = lax.axis_index("s")
    wid = sub * NC + core
    base = wid * EPW
    pltpu.sync_copy(s3.at[wid], idx_v)

    bufs = (rows0, sem0), (rows1, sem1), (rows2, sem2)

    def _fire(c, b):
        pltpu.async_copy(tab.at[idx_v.at[c]], b[0], b[1])

    def _put(c, b):
        pltpu.make_async_copy(tab.at[idx_v.at[c]], b[0], b[1]).wait()
        pltpu.sync_copy(b[0], y1.at[pl.ds(base + c * CH, CH)])

    _fire(0, bufs[0])
    _fire(1, bufs[1])

    def _step(i, carry):
        c = 3 * i
        _fire(c + 2, bufs[2])
        _put(c, bufs[0])
        _fire(c + 3, bufs[0])
        _put(c + 1, bufs[1])
        _fire(c + 4, bufs[1])
        _put(c + 2, bufs[2])
        return carry

    lax.fori_loop(0, (NCH - 2) // 3, _step, 0)
    _put(NCH - 2, bufs[0])
    _put(NCH - 1, bufs[1])


_gather_call = pl.kernel(
    _gather_body,
    out_type=jax.ShapeDtypeStruct((T, D), jnp.float32),
    mesh=_MESH,
    scratch_types=[
        pltpu.VMEM((NCH, CH), jnp.int32),
        pltpu.VMEM((CH, D), jnp.float32),
        pltpu.VMEM((CH, D), jnp.float32),
        pltpu.VMEM((CH, D), jnp.float32),
        pltpu.SemaphoreType.DMA,
        pltpu.SemaphoreType.DMA,
        pltpu.SemaphoreType.DMA,
    ],
)


def _scatter_body(pred, scaled2, o3, acc_out, acc, idx_v, rows0, rows1, rows2,
                  sem0, sem1, sem2):
    core = lax.axis_index("c")
    sub = lax.axis_index("s")
    wid = sub * NC + core

    def _z(i, carry):
        r = i // 8
        cc = (i % 8) * 16
        rows2[r, pl.ds(cc, 16)] = jnp.zeros((16,), jnp.float32)
        return carry

    lax.fori_loop(0, CH * 8, _z, 0)
    for j in range(RPT // CH):
        pltpu.sync_copy(rows2, acc.at[pl.ds(sub * RPT + j * CH, CH)])
    plsc.subcore_barrier()

    pltpu.sync_copy(o3.at[wid], idx_v)

    def _fire(c, rows, sem):
        @pl.when(wid == 0)
        def _():
            pltpu.async_copy(scaled2.at[pl.ds(c * CH, CH)], rows, sem)

        @pl.when(wid != 0)
        def _():
            pltpu.async_copy(pred.at[pl.ds(wid * EPW - O + c * CH, CH)],
                             rows, sem)

    def _drain(rows, sem):
        pltpu.make_async_copy(pred.at[pl.ds(0, CH)], rows, sem).wait()

    def _put(c, rows, sem):
        _drain(rows, sem)
        pltpu.sync_copy(rows, acc.at[idx_v.at[c]], add=True)

    _fire(0, rows0, sem0)
    _fire(1, rows1, sem1)

    def _step(i, carry):
        c = 3 * i
        _fire(c + 2, rows2, sem2)
        _put(c, rows0, sem0)
        _fire(c + 3, rows0, sem0)
        _put(c + 1, rows1, sem1)
        _fire(c + 4, rows1, sem1)
        _put(c + 2, rows2, sem2)
        return carry

    lax.fori_loop(0, (NCH - 2) // 3, _step, 0)
    _put(NCH - 2, rows0, sem0)
    _put(NCH - 1, rows1, sem1)

    plsc.subcore_barrier()
    for j in range(RPT // CH):
        sl = pl.ds(sub * RPT + j * CH, CH)
        pltpu.sync_copy(acc.at[sl], acc_out.at[core, sl])


_scatter_call = pl.kernel(
    _scatter_body,
    out_type=jax.ShapeDtypeStruct((NC, OPAD, D), jnp.float32),
    mesh=_MESH,
    scratch_types=[
        pltpu.VMEM_SHARED((OPAD, D), jnp.float32),
        pltpu.VMEM((NCH, CH), jnp.int32),
        pltpu.VMEM((CH, D), jnp.float32),
        pltpu.VMEM((CH, D), jnp.float32),
        pltpu.VMEM((CH, D), jnp.float32),
        pltpu.SemaphoreType.DMA,
        pltpu.SemaphoreType.DMA,
        pltpu.SemaphoreType.DMA,
    ],
)


def _obj_body(obj, y1, accs, dinv, invdeg, Wm, bm, out):
    a = accs[...]
    dv = dinv[...]
    y = (obj[...] * invdeg[...]
         + y1[...] * dv
         + (a[0] + a[1]) * (dv * INV_SQRT2))
    out[...] = lax.dot_general(
        y, Wm[...], (((1,), (1,)), ((), ())),
        preferred_element_type=jnp.float32) + bm[...]


_obj_call = pl.pallas_call(
    _obj_body,
    grid=(NBO,),
    in_specs=[
        pl.BlockSpec((BR, D), lambda i: (i, 0)),
        pl.BlockSpec((BR, D), lambda i: (i, 0)),
        pl.BlockSpec((NC, BR, D), lambda i: (0, i, 0)),
        pl.BlockSpec((BR, 1), lambda i: (i, 0)),
        pl.BlockSpec((BR, 1), lambda i: (i, 0)),
        pl.BlockSpec((D, D), lambda i: (0, 0)),
        pl.BlockSpec((1, D), lambda i: (0, 0)),
    ],
    out_specs=pl.BlockSpec((BR, D), lambda i: (i, 0)),
    out_shape=jax.ShapeDtypeStruct((O, D), jnp.float32),
)


def _pred_body(pred, y1, Wm, bm, out):
    i = pl.program_id(0)
    cself = jnp.where(i < NBMID, 0.5, 1.0)
    cy = jnp.where(i < NBMID, INV_SQRT2, 0.0)
    y = pred[...] * cself + y1[...] * cy
    out[...] = lax.dot_general(
        y, Wm[...], (((1,), (1,)), ((), ())),
        preferred_element_type=jnp.float32) + bm[...]


_pred_call = pl.pallas_call(
    _pred_body,
    grid=(NBP,),
    in_specs=[
        pl.BlockSpec((BR, D), lambda i: (i, 0)),
        pl.BlockSpec((BR, D), lambda i: (jnp.minimum(i + NBO, NBP - 1), 0)),
        pl.BlockSpec((D, D), lambda i: (0, 0)),
        pl.BlockSpec((1, D), lambda i: (0, 0)),
    ],
    out_specs=pl.BlockSpec((BR, D), lambda i: (i, 0)),
    out_shape=jax.ShapeDtypeStruct((T, D), jnp.float32),
)


@jax.jit
def kernel(obj_vecs, pred_vecs, edges, W, b):
    s3 = edges[:, 0].reshape(NW, NCH, CH)
    o3 = edges[:, 1].reshape(NW, NCH, CH)
    bm = b.reshape(1, D)

    hist = _hist_call(o3)
    scaled, scaled2, dinv, invdeg = _prep_call(hist, obj_vecs)
    y1 = _gather_call(scaled, s3)
    accp = _scatter_call(pred_vecs, scaled2, o3)
    out_pred = _pred_call(pred_vecs, y1, W, bm)
    out_obj = _obj_call(obj_vecs, y1, accp, dinv, invdeg, W, bm)
    return out_obj, out_pred

# --- scband reference (transcript-rebuilt; emitter-appended) ---
"""Pipeline reference for scband-graph-conv-layer-8048768713465 (READ-ONLY COPY).

The authoritative reference and input builder live on the scoring server;
editing this copy changes nothing except your own understanding.
"""

import jax, jax.numpy as jnp
import numpy as np

O, T, D = 10000, 320000, 128

def setup_inputs(seed: int = 0) -> dict:
    key = jax.random.key(seed)
    k1, k2, k3, k4 = jax.random.split(key, 4)
    obj_vecs = jax.random.normal(k1, (O, D), dtype=jnp.float32)
    pred_vecs = jax.random.normal(k2, (T, D), dtype=jnp.float32)
    edges = jax.random.randint(k3, (T, 2), 0, O, dtype=jnp.int32)
    # GCNConv linear weight, kaiming_normal_ (fan_in = D)
    W = jax.random.normal(k4, (D, D), dtype=jnp.float32) * np.sqrt(2.0 / D)
    b = jnp.zeros((D,), dtype=jnp.float32)
    return {"obj_vecs": obj_vecs, "pred_vecs": pred_vecs, "edges": edges, "W": W, "b": b}

def reference(obj_vecs, pred_vecs, edges, W, b):
    Oo = obj_vecs.shape[0]
    Tt = pred_vecs.shape[0]
    x = jnp.concatenate([obj_vecs, pred_vecs], axis=0)
    N = Oo + Tt
    idt = edges.dtype
    k = jnp.arange(Tt, dtype=idt)
    s = edges[:, 0]
    o = edges[:, 1]
    # Faithful to original: predicate node index k is used WITHOUT the +O offset
    # (as in the source code), edges s->k and k->o, then GCN self-loops on all N nodes.
    loop = jnp.arange(N, dtype=idt)
    src = jnp.concatenate([s, k, loop])
    dst = jnp.concatenate([k, o, loop])
    # gcn_norm: deg over dst (col), symmetric normalization
    deg = jnp.zeros((N,), dtype=x.dtype).at[dst].add(1.0)
    deg_safe = jnp.where(deg > 0, deg, 1.0)
    dinv = jnp.where(deg > 0, jax.lax.rsqrt(deg_safe), 0.0)
    norm = dinv[src] * dinv[dst]
    h = x @ W.T
    msg = h[src] * norm[:, None]
    out = jnp.zeros((N, W.shape[0]), dtype=x.dtype).at[dst].add(msg)
    out = out + b
    return (out[:Oo], out[Oo:])

if __name__ == "__main__":
    import jax
    _d = setup_inputs()
    print(jax.jit(kernel)(*tuple(_d.values())))

</pallas_src>

<mosaic_0001>
#map = affine_map<(d0, d1) -> (0, 0)>
#map1 = affine_map<(d0, d1) -> (0, 0, 0)>
module attributes {stable_mosaic.version = 14 : i64} {
  func.func @_gather_body(%arg0: i32, %arg1: i32, %arg2: memref<10000x128xf32, #tpu.memory_space<hbm>>, %arg3: memref<32x125x80xi32, #tpu.memory_space<hbm>>, %arg4: memref<320000x128xf32, #tpu.memory_space<hbm>>, %arg5: memref<125x80xi32, #tpu.memory_space<vmem>>, %arg6: memref<80x128xf32, #tpu.memory_space<vmem>>, %arg7: memref<80x128xf32, #tpu.memory_space<vmem>>, %arg8: memref<80x128xf32, #tpu.memory_space<vmem>>, %arg9: memref<!tpu.dma_semaphore, #tpu.memory_space<semaphore_mem>>, %arg10: memref<!tpu.dma_semaphore, #tpu.memory_space<semaphore_mem>>, %arg11: memref<!tpu.dma_semaphore, #tpu.memory_space<semaphore_mem>>) attributes {dimension_semantics = [#tpu.dimension_semantics<core_parallel>, #tpu.dimension_semantics<subcore_parallel>], iteration_bounds = array<i64: 2, 16>, scalar_prefetch = 0 : i64, scratch_operands = 7 : i64, tpu.core_type = #tpu.core_type<sc_vector_subcore>, window_params = [{transform_indices = #map}, {transform_indices = #map1}, {transform_indices = #map}]} {
    %mul3A = arith.constant 2 : i32
    %mul3A_0 = arith.muli %arg1, %mul3A : i32
    %add3A = arith.addi %mul3A_0, %arg0 : i32
    %mul3A_1 = arith.constant 10000 : i32
    %mul3A_2 = arith.muli %add3A, %mul3A_1 : i32
    "tpu.region"() ({
      %run_scoped3A = tpu.sem_alloc : memref<!tpu.dma_semaphore, #tpu.memory_space<semaphore_mem>>
      %dma_start3A_38 = arith.constant 0 : i32
      %dma_start3A_39 = arith.constant 0 : i32
      %dma_start3A_40 = tpu.memref_slice %arg3[%add3A, %dma_start3A_38, %dma_start3A_39] : memref<32x125x80xi32, #tpu.memory_space<hbm>> -> memref<1x125x80xi32, #tpu.memory_space<hbm>>
      %dma_start3A_41 = tpu.memref_squeeze %dma_start3A_40 : memref<1x125x80xi32, #tpu.memory_space<hbm>> -> memref<125x80xi32, #tpu.memory_space<hbm>>
      %dma_start3A_42 = arith.constant 0 : i32
      %dma_start3A_43 = arith.constant 0 : i32
      %dma_start3A_44 = tpu.memref_slice %arg3[%add3A, %dma_start3A_42, %dma_start3A_43] : memref<32x125x80xi32, #tpu.memory_space<hbm>> -> memref<1x125x80xi32, #tpu.memory_space<hbm>>
      %dma_start3A_45 = tpu.memref_squeeze %dma_start3A_44 : memref<1x125x80xi32, #tpu.memory_space<hbm>> -> memref<125x80xi32, #tpu.memory_space<hbm>>
      tpu.enqueue_dma source(%dma_start3A_45 : memref<125x80xi32, #tpu.memory_space<hbm>>) target(%arg5 : memref<125x80xi32, #tpu.memory_space<vmem>>) target_semaphore(%run_scoped3A : memref<!tpu.dma_semaphore, #tpu.memory_space<semaphore_mem>>)
      %dma_wait3A_46 = arith.constant 0 : i32
      %dma_wait3A_47 = arith.constant 0 : i32
      %dma_wait3A_48 = tpu.memref_slice %arg3[%add3A, %dma_wait3A_46, %dma_wait3A_47] : memref<32x125x80xi32, #tpu.memory_space<hbm>> -> memref<1x125x80xi32, #tpu.memory_space<hbm>>
      %dma_wait3A_49 = tpu.memref_squeeze %dma_wait3A_48 : memref<1x125x80xi32, #tpu.memory_space<hbm>> -> memref<125x80xi32, #tpu.memory_space<hbm>>
      %dma_wait3A_50 = arith.constant 0 : i32
      %dma_wait3A_51 = arith.constant 0 : i32
      %dma_wait3A_52 = tpu.memref_slice %arg3[%add3A, %dma_wait3A_50, %dma_wait3A_51] : memref<32x125x80xi32, #tpu.memory_space<hbm>> -> memref<1x125x80xi32, #tpu.memory_space<hbm>>
      %dma_wait3A_53 = tpu.memref_squeeze %dma_wait3A_52 : memref<1x125x80xi32, #tpu.memory_space<hbm>> -> memref<125x80xi32, #tpu.memory_space<hbm>>
      tpu.wait_dma2 semaphore(%run_scoped3A : memref<!tpu.dma_semaphore, #tpu.memory_space<semaphore_mem>>) src(%dma_wait3A_53 : memref<125x80xi32, #tpu.memory_space<hbm>>) dst(%arg5 : memref<125x80xi32, #tpu.memory_space<vmem>>)
      tpu.yield
    }) : () -> ()
    %dma_start3A = arith.constant 0 : i32
    %dma_start3A_3 = arith.constant 0 : i32
    %dma_start3A_4 = tpu.memref_slice %arg5[%dma_start3A, %dma_start3A_3] : memref<125x80xi32, #tpu.memory_space<vmem>> -> memref<1x80xi32, #tpu.memory_space<vmem>>
    %dma_start3A_5 = tpu.memref_squeeze %dma_start3A_4 : memref<1x80xi32, #tpu.memory_space<vmem>> -> memref<80xi32, #tpu.memory_space<vmem>>
    %dma_start3A_6 = arith.constant 0 : i32
    %dma_start3A_7 = arith.constant 0 : i32
    %dma_start3A_8 = tpu.memref_slice %arg2[%dma_start3A_6, %dma_start3A_7] : memref<10000x128xf32, #tpu.memory_space<hbm>> -> memref<10000x128xf32, #tpu.memory_space<hbm>>
    tpu.enqueue_indirect_dma source(%dma_start3A_8 : memref<10000x128xf32, #tpu.memory_space<hbm>>) target(%arg6 : memref<80x128xf32, #tpu.memory_space<vmem>>) offsets(%dma_start3A_5 : memref<80xi32, #tpu.memory_space<vmem>>) semaphore(%arg9 : memref<!tpu.dma_semaphore, #tpu.memory_space<semaphore_mem>>)
    %dma_start3A_9 = arith.constant 1 : i32
    %dma_start3A_10 = arith.constant 0 : i32
    %dma_start3A_11 = tpu.memref_slice %arg5[%dma_start3A_9, %dma_start3A_10] : memref<125x80xi32, #tpu.memory_space<vmem>> -> memref<1x80xi32, #tpu.memory_space<vmem>>
    %dma_start3A_12 = tpu.memref_squeeze %dma_start3A_11 : memref<1x80xi32, #tpu.memory_space<vmem>> -> memref<80xi32, #tpu.memory_space<vmem>>
    %dma_start3A_13 = arith.constant 0 : i32
    %dma_start3A_14 = arith.constant 0 : i32
    %dma_start3A_15 = tpu.memref_slice %arg2[%dma_start3A_13, %dma_start3A_14] : memref<10000x128xf32, #tpu.memory_space<hbm>> -> memref<10000x128xf32, #tpu.memory_space<hbm>>
    tpu.enqueue_indirect_dma source(%dma_start3A_15 : memref<10000x128xf32, #tpu.memory_space<hbm>>) target(%arg7 : memref<80x128xf32, #tpu.memory_space<vmem>>) offsets(%dma_start3A_12 : memref<80xi32, #tpu.memory_space<vmem>>) semaphore(%arg10 : memref<!tpu.dma_semaphore, #tpu.memory_space<semaphore_mem>>)
    %scan3A = arith.constant 0 : i32
    %scan3A_16 = arith.constant 0 : i32
    %scan3A_17 = arith.constant 41 : i32
    %scan3A_18 = arith.addi %scan3A_16, %scan3A_17 : i32
    %scan3A_19 = arith.constant 1 : i32
    scf.for %scan3A_38 = %scan3A_16 to %scan3A_18 step %scan3A_19  : i32 {
      %mul3A_39 = arith.constant 3 : i32
      %mul3A_40 = arith.muli %mul3A_39, %scan3A_38 : i32
      %add3A_41 = arith.constant 2 : i32
      %add3A_42 = arith.addi %mul3A_40, %add3A_41 : i32
      %dma_start3A_43 = arith.constant 0 : i32
      %dma_start3A_44 = tpu.memref_slice %arg5[%add3A_42, %dma_start3A_43] : memref<125x80xi32, #tpu.memory_space<vmem>> -> memref<1x80xi32, #tpu.memory_space<vmem>>
      %dma_start3A_45 = tpu.memref_squeeze %dma_start3A_44 : memref<1x80xi32, #tpu.memory_space<vmem>> -> memref<80xi32, #tpu.memory_space<vmem>>
      %dma_start3A_46 = arith.constant 0 : i32
      %dma_start3A_47 = arith.constant 0 : i32
      %dma_start3A_48 = tpu.memref_slice %arg2[%dma_start3A_46, %dma_start3A_47] : memref<10000x128xf32, #tpu.memory_space<hbm>> -> memref<10000x128xf32, #tpu.memory_space<hbm>>
      tpu.enqueue_indirect_dma source(%dma_start3A_48 : memref<10000x128xf32, #tpu.memory_space<hbm>>) target(%arg8 : memref<80x128xf32, #tpu.memory_space<vmem>>) offsets(%dma_start3A_45 : memref<80xi32, #tpu.memory_space<vmem>>) semaphore(%arg11 : memref<!tpu.dma_semaphore, #tpu.memory_space<semaphore_mem>>)
      %dma_wait3A_49 = arith.constant 0 : i32
      %dma_wait3A_50 = tpu.memref_slice %arg5[%mul3A_40, %dma_wait3A_49] : memref<125x80xi32, #tpu.memory_space<vmem>> -> memref<1x80xi32, #tpu.memory_space<vmem>>
      %dma_wait3A_51 = tpu.memref_squeeze %dma_wait3A_50 : memref<1x80xi32, #tpu.memory_space<vmem>> -> memref<80xi32, #tpu.memory_space<vmem>>
      %dma_wait3A_52 = arith.constant 0 : i32
      %dma_wait3A_53 = arith.constant 0 : i32
      %dma_wait3A_54 = tpu.memref_slice %arg2[%dma_wait3A_52, %dma_wait3A_53] : memref<10000x128xf32, #tpu.memory_space<hbm>> -> memref<10000x128xf32, #tpu.memory_space<hbm>>
      tpu.wait_indirect_dma semaphore(%arg9 : memref<!tpu.dma_semaphore, #tpu.memory_space<semaphore_mem>>) src(%dma_wait3A_54 : memref<10000x128xf32, #tpu.memory_space<hbm>>) dst(%arg6 : memref<80x128xf32, #tpu.memory_space<vmem>>)
      %mul3A_55 = arith.constant 80 : i32
      %mul3A_56 = arith.muli %mul3A_40, %mul3A_55 : i32
      %add3A_57 = arith.addi %mul3A_2, %mul3A_56 : i32
      "tpu.region"() ({
        %run_scoped3A = tpu.sem_alloc : memref<!tpu.dma_semaphore, #tpu.memory_space<semaphore_mem>>
        %dma_start3A_96 = arith.constant 0 : i32
        %dma_start3A_97 = tpu.memref_slice %arg4[%add3A_57, %dma_start3A_96] : memref<320000x128xf32, #tpu.memory_space<hbm>> -> memref<80x128xf32, #tpu.memory_space<hbm>>
        %dma_start3A_98 = arith.constant 0 : i32
        %dma_start3A_99 = tpu.memref_slice %arg4[%add3A_57, %dma_start3A_98] : memref<320000x128xf32, #tpu.memory_space<hbm>> -> memref<80x128xf32, #tpu.memory_space<hbm>>
        tpu.enqueue_dma source(%arg6 : memref<80x128xf32, #tpu.memory_space<vmem>>) target(%dma_start3A_99 : memref<80x128xf32, #tpu.memory_space<hbm>>) target_semaphore(%run_scoped3A : memref<!tpu.dma_semaphore, #tpu.memory_space<semaphore_mem>>)
        %dma_wait3A_100 = arith.constant 0 : i32
        %dma_wait3A_101 = tpu.memref_slice %arg4[%add3A_57, %dma_wait3A_100] : memref<320000x128xf32, #tpu.memory_space<hbm>> -> memref<80x128xf32, #tpu.memory_space<hbm>>
        %dma_wait3A_102 = arith.constant 0 : i32
        %dma_wait3A_103 = tpu.memref_slice %arg4[%add3A_57, %dma_wait3A_102] : memref<320000x128xf32, #tpu.memory_space<hbm>> -> memref<80x128xf32, #tpu.memory_space<hbm>>
        tpu.wait_dma2 semaphore(%run_scoped3A : memref<!tpu.dma_semaphore, #tpu.memory_space<semaphore_mem>>) src(%arg6 : memref<80x128xf32, #tpu.memory_space<vmem>>) dst(%dma_wait3A_103 : memref<80x128xf32, #tpu.memory_space<hbm>>)
        tpu.yield
      }) : () -> ()
      %add3A_58 = arith.constant 3 : i32
      %add3A_59 = arith.addi %mul3A_40, %add3A_58 : i32
      %dma_start3A_60 = arith.constant 0 : i32
      %dma_start3A_61 = tpu.memref_slice %arg5[%add3A_59, %dma_start3A_60] : memref<125x80xi32, #tpu.memory_space<vmem>> -> memref<1x80xi32, #tpu.memory_space<vmem>>
      %dma_start3A_62 = tpu.memref_squeeze %dma_start3A_61 : memref<1x80xi32, #tpu.memory_space<vmem>> -> memref<80xi32, #tpu.memory_space<vmem>>
      %dma_start3A_63 = arith.constant 0 : i32
      %dma_start3A_64 = arith.constant 0 : i32
      %dma_start3A_65 = tpu.memref_slice %arg2[%dma_start3A_63, %dma_start3A_64] : memref<10000x128xf32, #tpu.memory_space<hbm>> -> memref<10000x128xf32, #tpu.memory_space<hbm>>
      tpu.enqueue_indirect_dma source(%dma_start3A_65 : memref<10000x128xf32, #tpu.memory_space<hbm>>) target(%arg6 : memref<80x128xf32, #tpu.memory_space<vmem>>) offsets(%dma_start3A_62 : memref<80xi32, #tpu.memory_space<vmem>>) semaphore(%arg9 : memref<!tpu.dma_semaphore, #tpu.memory_space<semaphore_mem>>)
      %add3A_66 = arith.constant 1 : i32
      %add3A_67 = arith.addi %mul3A_40, %add3A_66 : i32
      %dma_wait3A_68 = arith.constant 0 : i32
      %dma_wait3A_69 = tpu.memref_slice %arg5[%add3A_67, %dma_wait3A_68] : memref<125x80xi32, #tpu.memory_space<vmem>> -> memref<1x80xi32, #tpu.memory_space<vmem>>
      %dma_wait3A_70 = tpu.memref_squeeze %dma_wait3A_69 : memref<1x80xi32, #tpu.memory_space<vmem>> -> memref<80xi32, #tpu.memory_space<vmem>>
      %dma_wait3A_71 = arith.constant 0 : i32
      %dma_wait3A_72 = arith.constant 0 : i32
      %dma_wait3A_73 = tpu.memref_slice %arg2[%dma_wait3A_71, %dma_wait3A_72] : memref<10000x128xf32, #tpu.memory_space<hbm>> -> memref<10000x128xf32, #tpu.memory_space<hbm>>
      tpu.wait_indirect_dma semaphore(%arg10 : memref<!tpu.dma_semaphore, #tpu.memory_space<semaphore_mem>>) src(%dma_wait3A_73 : memref<10000x128xf32, #tpu.memory_space<hbm>>) dst(%arg7 : memref<80x128xf32, #tpu.memory_space<vmem>>)
      %mul3A_74 = arith.constant 80 : i32
      %mul3A_75 = arith.muli %add3A_67, %mul3A_74 : i32
      %add3A_76 = arith.addi %mul3A_2, %mul3A_75 : i32
      "tpu.region"() ({
        %run_scoped3A = tpu.sem_alloc : memref<!tpu.dma_semaphore, #tpu.memory_space<semaphore_mem>>
        %dma_start3A_96 = arith.constant 0 : i32
        %dma_start3A_97 = tpu.memref_slice %arg4[%add3A_76, %dma_start3A_96] : memref<320000x128xf32, #tpu.memory_space<hbm>> -> memref<80x128xf32, #tpu.memory_space<hbm>>
        %dma_start3A_98 = arith.constant 0 : i32
        %dma_start3A_99 = tpu.memref_slice %arg4[%add3A_76, %dma_start3A_98] : memref<320000x128xf32, #tpu.memory_space<hbm>> -> memref<80x128xf32, #tpu.memory_space<hbm>>
        tpu.enqueue_dma source(%arg7 : memref<80x128xf32, #tpu.memory_space<vmem>>) target(%dma_start3A_99 : memref<80x128xf32, #tpu.memory_space<hbm>>) target_semaphore(%run_scoped3A : memref<!tpu.dma_semaphore, #tpu.memory_space<semaphore_mem>>)
        %dma_wait3A_100 = arith.constant 0 : i32
        %dma_wait3A_101 = tpu.memref_slice %arg4[%add3A_76, %dma_wait3A_100] : memref<320000x128xf32, #tpu.memory_space<hbm>> -> memref<80x128xf32, #tpu.memory_space<hbm>>
        %dma_wait3A_102 = arith.constant 0 : i32
        %dma_wait3A_103 = tpu.memref_slice %arg4[%add3A_76, %dma_wait3A_102] : memref<320000x128xf32, #tpu.memory_space<hbm>> -> memref<80x128xf32, #tpu.memory_space<hbm>>
        tpu.wait_dma2 semaphore(%run_scoped3A : memref<!tpu.dma_semaphore, #tpu.memory_space<semaphore_mem>>) src(%arg7 : memref<80x128xf32, #tpu.memory_space<vmem>>) dst(%dma_wait3A_103 : memref<80x128xf32, #tpu.memory_space<hbm>>)
        tpu.yield
      }) : () -> ()
      %add3A_77 = arith.constant 4 : i32
      %add3A_78 = arith.addi %mul3A_40, %add3A_77 : i32
      %dma_start3A_79 = arith.constant 0 : i32
      %dma_start3A_80 = tpu.memref_slice %arg5[%add3A_78, %dma_start3A_79] : memref<125x80xi32, #tpu.memory_space<vmem>> -> memref<1x80xi32, #tpu.memory_space<vmem>>
      %dma_start3A_81 = tpu.memref_squeeze %dma_start3A_80 : memref<1x80xi32, #tpu.memory_space<vmem>> -> memref<80xi32, #tpu.memory_space<vmem>>
      %dma_start3A_82 = arith.constant 0 : i32
      %dma_start3A_83 = arith.constant 0 : i32
      %dma_start3A_84 = tpu.memref_slice %arg2[%dma_start3A_82, %dma_start3A_83] : memref<10000x128xf32, #tpu.memory_space<hbm>> -> memref<10000x128xf32, #tpu.memory_space<hbm>>
      tpu.enqueue_indirect_dma source(%dma_start3A_84 : memref<10000x128xf32, #tpu.memory_space<hbm>>) target(%arg7 : memref<80x128xf32, #tpu.memory_space<vmem>>) offsets(%dma_start3A_81 : memref<80xi32, #tpu.memory_space<vmem>>) semaphore(%arg10 : memref<!tpu.dma_semaphore, #tpu.memory_space<semaphore_mem>>)
      %add3A_85 = arith.constant 2 : i32
      %add3A_86 = arith.addi %mul3A_40, %add3A_85 : i32
      %dma_wait3A_87 = arith.constant 0 : i32
      %dma_wait3A_88 = tpu.memref_slice %arg5[%add3A_86, %dma_wait3A_87] : memref<125x80xi32, #tpu.memory_space<vmem>> -> memref<1x80xi32, #tpu.memory_space<vmem>>
      %dma_wait3A_89 = tpu.memref_squeeze %dma_wait3A_88 : memref<1x80xi32, #tpu.memory_space<vmem>> -> memref<80xi32, #tpu.memory_space<vmem>>
      %dma_wait3A_90 = arith.constant 0 : i32
      %dma_wait3A_91 = arith.constant 0 : i32
      %dma_wait3A_92 = tpu.memref_slice %arg2[%dma_wait3A_90, %dma_wait3A_91] : memref<10000x128xf32, #tpu.memory_space<hbm>> -> memref<10000x128xf32, #tpu.memory_space<hbm>>
      tpu.wait_indirect_dma semaphore(%arg11 : memref<!tpu.dma_semaphore, #tpu.memory_space<semaphore_mem>>) src(%dma_wait3A_92 : memref<10000x128xf32, #tpu.memory_space<hbm>>) dst(%arg8 : memref<80x128xf32, #tpu.memory_space<vmem>>)
      %mul3A_93 = arith.constant 80 : i32
      %mul3A_94 = arith.muli %add3A_86, %mul3A_93 : i32
      %add3A_95 = arith.addi %mul3A_2, %mul3A_94 : i32
      "tpu.region"() ({
        %run_scoped3A = tpu.sem_alloc : memref<!tpu.dma_semaphore, #tpu.memory_space<semaphore_mem>>
        %dma_start3A_96 = arith.constant 0 : i32
        %dma_start3A_97 = tpu.memref_slice %arg4[%add3A_95, %dma_start3A_96] : memref<320000x128xf32, #tpu.memory_space<hbm>> -> memref<80x128xf32, #tpu.memory_space<hbm>>
        %dma_start3A_98 = arith.constant 0 : i32
        %dma_start3A_99 = tpu.memref_slice %arg4[%add3A_95, %dma_start3A_98] : memref<320000x128xf32, #tpu.memory_space<hbm>> -> memref<80x128xf32, #tpu.memory_space<hbm>>
        tpu.enqueue_dma source(%arg8 : memref<80x128xf32, #tpu.memory_space<vmem>>) target(%dma_start3A_99 : memref<80x128xf32, #tpu.memory_space<hbm>>) target_semaphore(%run_scoped3A : memref<!tpu.dma_semaphore, #tpu.memory_space<semaphore_mem>>)
        %dma_wait3A_100 = arith.constant 0 : i32
        %dma_wait3A_101 = tpu.memref_slice %arg4[%add3A_95, %dma_wait3A_100] : memref<320000x128xf32, #tpu.memory_space<hbm>> -> memref<80x128xf32, #tpu.memory_space<hbm>>
        %dma_wait3A_102 = arith.constant 0 : i32
        %dma_wait3A_103 = tpu.memref_slice %arg4[%add3A_95, %dma_wait3A_102] : memref<320000x128xf32, #tpu.memory_space<hbm>> -> memref<80x128xf32, #tpu.memory_space<hbm>>
        tpu.wait_dma2 semaphore(%run_scoped3A : memref<!tpu.dma_semaphore, #tpu.memory_space<semaphore_mem>>) src(%arg8 : memref<80x128xf32, #tpu.memory_space<vmem>>) dst(%dma_wait3A_103 : memref<80x128xf32, #tpu.memory_space<hbm>>)
        tpu.yield
      }) : () -> ()
    }
    %scan3A_20 = arith.constant 41 : i32
    %dma_wait3A = arith.constant 123 : i32
    %dma_wait3A_21 = arith.constant 0 : i32
    %dma_wait3A_22 = tpu.memref_slice %arg5[%dma_wait3A, %dma_wait3A_21] : memref<125x80xi32, #tpu.memory_space<vmem>> -> memref<1x80xi32, #tpu.memory_space<vmem>>
    %dma_wait3A_23 = tpu.memref_squeeze %dma_wait3A_22 : memref<1x80xi32, #tpu.memory_space<vmem>> -> memref<80xi32, #tpu.memory_space<vmem>>
    %dma_wait3A_24 = arith.constant 0 : i32
    %dma_wait3A_25 = arith.constant 0 : i32
    %dma_wait3A_26 = tpu.memref_slice %arg2[%dma_wait3A_24, %dma_wait3A_25] : memref<10000x128xf32, #tpu.memory_space<hbm>> -> memref<10000x128xf32, #tpu.memory_space<hbm>>
    tpu.wait_indirect_dma semaphore(%arg9 : memref<!tpu.dma_semaphore, #tpu.memory_space<semaphore_mem>>) src(%dma_wait3A_26 : memref<10000x128xf32, #tpu.memory_space<hbm>>) dst(%arg6 : memref<80x128xf32, #tpu.memory_space<vmem>>)
    %add3A_27 = arith.constant 9840 : i32
    %add3A_28 = arith.addi %mul3A_2, %add3A_27 : i32
    "tpu.region"() ({
      %run_scoped3A = tpu.sem_alloc : memref<!tpu.dma_semaphore, #tpu.memory_space<semaphore_mem>>
      %dma_start3A_38 = arith.constant 0 : i32
      %dma_start3A_39 = tpu.memref_slice %arg4[%add3A_28, %dma_start3A_38] : memref<320000x128xf32, #tpu.memory_space<hbm>> -> memref<80x128xf32, #tpu.memory_space<hbm>>
      %dma_start3A_40 = arith.constant 0 : i32
      %dma_start3A_41 = tpu.memref_slice %arg4[%add3A_28, %dma_start3A_40] : memref<320000x128xf32, #tpu.memory_space<hbm>> -> memref<80x128xf32, #tpu.memory_space<hbm>>
      tpu.enqueue_dma source(%arg6 : memref<80x128xf32, #tpu.memory_space<vmem>>) target(%dma_start3A_41 : memref<80x128xf32, #tpu.memory_space<hbm>>) target_semaphore(%run_scoped3A : memref<!tpu.dma_semaphore, #tpu.memory_space<semaphore_mem>>)
      %dma_wait3A_42 = arith.constant 0 : i32
      %dma_wait3A_43 = tpu.memref_slice %arg4[%add3A_28, %dma_wait3A_42] : memref<320000x128xf32, #tpu.memory_space<hbm>> -> memref<80x128xf32, #tpu.memory_space<hbm>>
      %dma_wait3A_44 = arith.constant 0 : i32
      %dma_wait3A_45 = tpu.memref_slice %arg4[%add3A_28, %dma_wait3A_44] : memref<320000x128xf32, #tpu.memory_space<hbm>> -> memref<80x128xf32, #tpu.memory_space<hbm>>
      tpu.wait_dma2 semaphore(%run_scoped3A : memref<!tpu.dma_semaphore, #tpu.memory_space<semaphore_mem>>) src(%arg6 : memref<80x128xf32, #tpu.memory_space<vmem>>) dst(%dma_wait3A_45 : memref<80x128xf32, #tpu.memory_space<hbm>>)
      tpu.yield
    }) : () -> ()
    %dma_wait3A_29 = arith.constant 124 : i32
    %dma_wait3A_30 = arith.constant 0 : i32
    %dma_wait3A_31 = tpu.memref_slice %arg5[%dma_wait3A_29, %dma_wait3A_30] : memref<125x80xi32, #tpu.memory_space<vmem>> -> memref<1x80xi32, #tpu.memory_space<vmem>>
    %dma_wait3A_32 = tpu.memref_squeeze %dma_wait3A_31 : memref<1x80xi32, #tpu.memory_space<vmem>> -> memref<80xi32, #tpu.memory_space<vmem>>
    %dma_wait3A_33 = arith.constant 0 : i32
    %dma_wait3A_34 = arith.constant 0 : i32
    %dma_wait3A_35 = tpu.memref_slice %arg2[%dma_wait3A_33, %dma_wait3A_34] : memref<10000x128xf32, #tpu.memory_space<hbm>> -> memref<10000x128xf32, #tpu.memory_space<hbm>>
    tpu.wait_indirect_dma semaphore(%arg10 : memref<!tpu.dma_semaphore, #tpu.memory_space<semaphore_mem>>) src(%dma_wait3A_35 : memref<10000x128xf32, #tpu.memory_space<hbm>>) dst(%arg7 : memref<80x128xf32, #tpu.memory_space<vmem>>)
    %add3A_36 = arith.constant 9920 : i32
    %add3A_37 = arith.addi %mul3A_2, %add3A_36 : i32
    "tpu.region"() ({
      %run_scoped3A = tpu.sem_alloc : memref<!tpu.dma_semaphore, #tpu.memory_space<semaphore_mem>>
      %dma_start3A_38 = arith.constant 0 : i32
      %dma_start3A_39 = tpu.memref_slice %arg4[%add3A_37, %dma_start3A_38] : memref<320000x128xf32, #tpu.memory_space<hbm>> -> memref<80x128xf32, #tpu.memory_space<hbm>>
      %dma_start3A_40 = arith.constant 0 : i32
      %dma_start3A_41 = tpu.memref_slice %arg4[%add3A_37, %dma_start3A_40] : memref<320000x128xf32, #tpu.memory_space<hbm>> -> memref<80x128xf32, #tpu.memory_space<hbm>>
      tpu.enqueue_dma source(%arg7 : memref<80x128xf32, #tpu.memory_space<vmem>>) target(%dma_start3A_41 : memref<80x128xf32, #tpu.memory_space<hbm>>) target_semaphore(%run_scoped3A : memref<!tpu.dma_semaphore, #tpu.memory_space<semaphore_mem>>)
      %dma_wait3A_42 = arith.constant 0 : i32
      %dma_wait3A_43 = tpu.memref_slice %arg4[%add3A_37, %dma_wait3A_42] : memref<320000x128xf32, #tpu.memory_space<hbm>> -> memref<80x128xf32, #tpu.memory_space<hbm>>
      %dma_wait3A_44 = arith.constant 0 : i32
      %dma_wait3A_45 = tpu.memref_slice %arg4[%add3A_37, %dma_wait3A_44] : memref<320000x128xf32, #tpu.memory_space<hbm>> -> memref<80x128xf32, #tpu.memory_space<hbm>>
      tpu.wait_dma2 semaphore(%run_scoped3A : memref<!tpu.dma_semaphore, #tpu.memory_space<semaphore_mem>>) src(%arg7 : memref<80x128xf32, #tpu.memory_space<vmem>>) dst(%dma_wait3A_45 : memref<80x128xf32, #tpu.memory_space<hbm>>)
      tpu.yield
    }) : () -> ()
    return
  }
}

#map = affine_map<(d0, d1) -> (0, 0)>
#map1 = affine_map<(d0, d1) -> (0, 0, 0)>
module attributes {stable_mosaic.version = 14 : i64} {
  func.func @_scatter_body(%arg0: i32, %arg1: i32, %arg2: memref<320000x128xf32, #tpu.memory_space<hbm>>, %arg3: memref<10000x128xf32, #tpu.memory_space<hbm>>, %arg4: memref<32x125x80xi32, #tpu.memory_space<hbm>>, %arg5: memref<2x10240x128xf32, #tpu.memory_space<hbm>>, %arg6: memref<10240x128xf32, #tpu.memory_space<vmem_shared>>, %arg7: memref<125x80xi32, #tpu.memory_space<vmem>>, %arg8: memref<80x128xf32, #tpu.memory_space<vmem>>, %arg9: memref<80x128xf32, #tpu.memory_space<vmem>>, %arg10: memref<80x128xf32, #tpu.memory_space<vmem>>, %arg11: memref<!tpu.dma_semaphore, #tpu.memory_space<semaphore_mem>>, %arg12: memref<!tpu.dma_semaphore, #tpu.memory_space<semaphore_mem>>, %arg13: memref<!tpu.dma_semaphore, #tpu.memory_space<semaphore_mem>>) attributes {dimension_semantics = [#tpu.dimension_semantics<core_parallel>, #tpu.dimension_semantics<subcore_parallel>], iteration_bounds = array<i64: 2, 16>, scalar_prefetch = 0 : i64, scratch_operands = 8 : i64, tpu.core_type = #tpu.core_type<sc_vector_subcore>, window_params = [{transform_indices = #map}, {transform_indices = #map}, {transform_indices = #map1}, {transform_indices = #map1}]} {
    %mul3A = arith.constant 2 : i32
    %mul3A_0 = arith.muli %arg1, %mul3A : i32
    %add3A = arith.addi %mul3A_0, %arg0 : i32
    %scan3A = arith.constant 0 : i32
    %scan3A_1 = arith.constant 0 : i32
    %scan3A_2 = arith.constant 640 : i32
    %scan3A_3 = arith.addi %scan3A_1, %scan3A_2 : i32
    %scan3A_4 = arith.constant 1 : i32
    scf.for %scan3A_105 = %scan3A_1 to %scan3A_3 step %scan3A_4  : i32 {
      %jit3A = arith.constant 8 : i32
      %div3A = arith.divsi %scan3A_105, %jit3A : i32
      %sign3A = arith.constant 0 : i32
      %sign3A_106 = arith.cmpi sgt, %scan3A_105, %sign3A : i32
      %sign3A_107 = arith.extui %sign3A_106 : i1 to i32
      %sign3A_108 = arith.constant 0 : i32
      %sign3A_109 = arith.cmpi slt, %scan3A_105, %sign3A_108 : i32
      %sign3A_110 = arith.extui %sign3A_109 : i1 to i32
      %sign3A_111 = arith.subi %sign3A_107, %sign3A_110 : i32
      %sign3A_112 = arith.constant 0 : i32
      %sign3A_113 = arith.cmpi sgt, %jit3A, %sign3A_112 : i32
      %sign3A_114 = arith.extui %sign3A_113 : i1 to i32
      %sign3A_115 = arith.constant 0 : i32
      %sign3A_116 = arith.cmpi slt, %jit3A, %sign3A_115 : i32
      %sign3A_117 = arith.extui %sign3A_116 : i1 to i32
      %sign3A_118 = arith.subi %sign3A_114, %sign3A_117 : i32
      %ne3A_119 = arith.cmpi ne, %sign3A_111, %sign3A_118 : i32
      %rem3A = arith.remsi %scan3A_105, %jit3A : i32
      %ne3A_120 = arith.constant 0 : i32
      %ne3A_121 = arith.cmpi ne, %rem3A, %ne3A_120 : i32
      %and3A = arith.andi %ne3A_119, %ne3A_121 : i1
      %sub3A = arith.constant 1 : i32
      %sub3A_122 = arith.subi %div3A, %sub3A : i32
      %select_n3A = arith.select %and3A, %sub3A_122, %div3A : i32
      %jit3A_123 = arith.constant 8 : i32
      %eq3A_124 = arith.constant 0 : i32
      %eq3A_125 = arith.cmpi eq, %jit3A_123, %eq3A_124 : i32
      %jit3A_126 = arith.constant 1 : i32
      %select_n3A_127 = arith.select %eq3A_125, %jit3A_126, %jit3A_123 : i32
      %rem3A_128 = arith.remsi %scan3A_105, %select_n3A_127 : i32
      %ne3A_129 = arith.constant 0 : i32
      %ne3A_130 = arith.cmpi ne, %rem3A_128, %ne3A_129 : i32
      %lt3A = arith.constant 0 : i32
      %lt3A_131 = arith.cmpi slt, %rem3A_128, %lt3A : i32
      %lt3A_132 = arith.constant 0 : i32
      %lt3A_133 = arith.cmpi slt, %select_n3A_127, %lt3A_132 : i32
      %ne3A_134 = arith.xori %lt3A_131, %lt3A_133 : i1
      %and3A_135 = arith.andi %ne3A_134, %ne3A_130 : i1
      %add3A_136 = arith.addi %rem3A_128, %select_n3A_127 : i32
      %select_n3A_137 = arith.select %and3A_135, %add3A_136, %rem3A_128 : i32
      %mul3A_138 = arith.constant 16 : i32
      %mul3A_139 = arith.muli %select_n3A_137, %mul3A_138 : i32
      %broadcast_in_dim3A = arith.constant 0.000000e+00 : f32
      %broadcast_in_dim3A_140 = vector.broadcast %broadcast_in_dim3A : f32 to vector<16xf32>
      %swap3A = arith.index_cast %select_n3A : i32 to index
      %swap3A_141 = arith.index_cast %mul3A_139 : i32 to index
      %swap3A_142 = tpu.vector_load %arg10[%swap3A, %swap3A_141] {strides = array<i32>} : memref<80x128xf32, #tpu.memory_space<vmem>>, vector<1x16xf32>,
      %swap3A_143 = vector.shape_cast %swap3A_142 : vector<1x16xf32> to vector<16xf32>
      %swap3A_144 = vector.shape_cast %broadcast_in_dim3A_140 : vector<16xf32> to vector<1x16xf32>
      tpu.vector_store %arg10[%swap3A, %swap3A_141], %swap3A_144 {strides = array<i32>} : memref<80x128xf32, #tpu.memory_space<vmem>>, vector<1x16xf32>,
    }
    %scan3A_5 = arith.constant 640 : i32
    %mul3A_6 = arith.constant 640 : i32
    %mul3A_7 = arith.muli %arg1, %mul3A_6 : i32
    %add3A_8 = arith.constant 0 : i32
    %add3A_9 = arith.addi %mul3A_7, %add3A_8 : i32
    "tpu.region"() ({
      %run_scoped3A_105 = tpu.sem_alloc : memref<!tpu.dma_semaphore, #tpu.memory_space<semaphore_mem>>
      %dma_start3A = arith.constant 0 : i32
      %dma_start3A_106 = tpu.memref_slice %arg6[%add3A_9, %dma_start3A] : memref<10240x128xf32, #tpu.memory_space<vmem_shared>> -> memref<80x128xf32, #tpu.memory_space<vmem_shared>>
      %dma_start3A_107 = arith.constant 0 : i32
      %dma_start3A_108 = tpu.memref_slice %arg6[%add3A_9, %dma_start3A_107] : memref<10240x128xf32, #tpu.memory_space<vmem_shared>> -> memref<80x128xf32, #tpu.memory_space<vmem_shared>>
      tpu.enqueue_dma source(%arg10 : memref<80x128xf32, #tpu.memory_space<vmem>>) target(%dma_start3A_108 : memref<80x128xf32, #tpu.memory_space<vmem_shared>>) target_semaphore(%run_scoped3A_105 : memref<!tpu.dma_semaphore, #tpu.memory_space<semaphore_mem>>)
      %dma_wait3A_109 = arith.constant 0 : i32
      %dma_wait3A_110 = tpu.memref_slice %arg6[%add3A_9, %dma_wait3A_109] : memref<10240x128xf32, #tpu.memory_space<vmem_shared>> -> memref<80x128xf32, #tpu.memory_space<vmem_shared>>
      %dma_wait3A_111 = arith.constant 0 : i32
      %dma_wait3A_112 = tpu.memref_slice %arg6[%add3A_9, %dma_wait3A_111] : memref<10240x128xf32, #tpu.memory_space<vmem_shared>> -> memref<80x128xf32, #tpu.memory_space<vmem_shared>>
      tpu.wait_dma2 semaphore(%run_scoped3A_105 : memref<!tpu.dma_semaphore, #tpu.memory_space<semaphore_mem>>) src(%arg10 : memref<80x128xf32, #tpu.memory_space<vmem>>) dst(%dma_wait3A_112 : memref<80x128xf32, #tpu.memory_space<vmem_shared>>)
      tpu.yield
    }) : () -> ()
    %mul3A_10 = arith.constant 640 : i32
    %mul3A_11 = arith.muli %arg1, %mul3A_10 : i32
    %add3A_12 = arith.constant 80 : i32
    %add3A_13 = arith.addi %mul3A_11, %add3A_12 : i32
    "tpu.region"() ({
      %run_scoped3A_105 = tpu.sem_alloc : memref<!tpu.dma_semaphore, #tpu.memory_space<semaphore_mem>>
      %dma_start3A = arith.constant 0 : i32
      %dma_start3A_106 = tpu.memref_slice %arg6[%add3A_13, %dma_start3A] : memref<10240x128xf32, #tpu.memory_space<vmem_shared>> -> memref<80x128xf32, #tpu.memory_space<vmem_shared>>
      %dma_start3A_107 = arith.constant 0 : i32
      %dma_start3A_108 = tpu.memref_slice %arg6[%add3A_13, %dma_start3A_107] : memref<10240x128xf32, #tpu.memory_space<vmem_shared>> -> memref<80x128xf32, #tpu.memory_space<vmem_shared>>
      tpu.enqueue_dma source(%arg10 : memref<80x128xf32, #tpu.memory_space<vmem>>) target(%dma_start3A_108 : memref<80x128xf32, #tpu.memory_space<vmem_shared>>) target_semaphore(%run_scoped3A_105 : memref<!tpu.dma_semaphore, #tpu.memory_space<semaphore_mem>>)
      %dma_wait3A_109 = arith.constant 0 : i32
      %dma_wait3A_110 = tpu.memref_slice %arg6[%add3A_13, %dma_wait3A_109] : memref<10240x128xf32, #tpu.memory_space<vmem_shared>> -> memref<80x128xf32, #tpu.memory_space<vmem_shared>>
      %dma_wait3A_111 = arith.constant 0 : i32
      %dma_wait3A_112 = tpu.memref_slice %arg6[%add3A_13, %dma_wait3A_111] : memref<10240x128xf32, #tpu.memory_space<vmem_shared>> -> memref<80x128xf32, #tpu.memory_space<vmem_shared>>
      tpu.wait_dma2 semaphore(%run_scoped3A_105 : memref<!tpu.dma_semaphore, #tpu.memory_space<semaphore_mem>>) src(%arg10 : memref<80x128xf32, #tpu.memory_space<vmem>>) dst(%dma_wait3A_112 : memref<80x128xf32, #tpu.memory_space<vmem_shared>>)
      tpu.yield
    }) : () -> ()
    %mul3A_14 = arith.constant 640 : i32
    %mul3A_15 = arith.muli %arg1, %mul3A_14 : i32
    %add3A_16 = arith.constant 160 : i32
    %add3A_17 = arith.addi %mul3A_15, %add3A_16 : i32
    "tpu.region"() ({
      %run_scoped3A_105 = tpu.sem_alloc : memref<!tpu.dma_semaphore, #tpu.memory_space<semaphore_mem>>
      %dma_start3A = arith.constant 0 : i32
      %dma_start3A_106 = tpu.memref_slice %arg6[%add3A_17, %dma_start3A] : memref<10240x128xf32, #tpu.memory_space<vmem_shared>> -> memref<80x128xf32, #tpu.memory_space<vmem_shared>>
      %dma_start3A_107 = arith.constant 0 : i32
      %dma_start3A_108 = tpu.memref_slice %arg6[%add3A_17, %dma_start3A_107] : memref<10240x128xf32, #tpu.memory_space<vmem_shared>> -> memref<80x128xf32, #tpu.memory_space<vmem_shared>>
      tpu.enqueue_dma source(%arg10 : memref<80x128xf32, #tpu.memory_space<vmem>>) target(%dma_start3A_108 : memref<80x128xf32, #tpu.memory_space<vmem_shared>>) target_semaphore(%run_scoped3A_105 : memref<!tpu.dma_semaphore, #tpu.memory_space<semaphore_mem>>)
      %dma_wait3A_109 = arith.constant 0 : i32
      %dma_wait3A_110 = tpu.memref_slice %arg6[%add3A_17, %dma_wait3A_109] : memref<10240x128xf32, #tpu.memory_space<vmem_shared>> -> memref<80x128xf32, #tpu.memory_space<vmem_shared>>
      %dma_wait3A_111 = arith.constant 0 : i32
      %dma_wait3A_112 = tpu.memref_slice %arg6[%add3A_17, %dma_wait3A_111] : memref<10240x128xf32, #tpu.memory_space<vmem_shared>> -> memref<80x128xf32, #tpu.memory_space<vmem_shared>>
      tpu.wait_dma2 semaphore(%run_scoped3A_105 : memref<!tpu.dma_semaphore, #tpu.memory_space<semaphore_mem>>) src(%arg10 : memref<80x128xf32, #tpu.memory_space<vmem>>) dst(%dma_wait3A_112 : memref<80x128xf32, #tpu.memory_space<vmem_shared>>)
      tpu.yield
    }) : () -> ()
    %mul3A_18 = arith.constant 640 : i32
    %mul3A_19 = arith.muli %arg1, %mul3A_18 : i32
    %add3A_20 = arith.constant 240 : i32
    %add3A_21 = arith.addi %mul3A_19, %add3A_20 : i32
    "tpu.region"() ({
      %run_scoped3A_105 = tpu.sem_alloc : memref<!tpu.dma_semaphore, #tpu.memory_space<semaphore_mem>>
      %dma_start3A = arith.constant 0 : i32
      %dma_start3A_106 = tpu.memref_slice %arg6[%add3A_21, %dma_start3A] : memref<10240x128xf32, #tpu.memory_space<vmem_shared>> -> memref<80x128xf32, #tpu.memory_space<vmem_shared>>
      %dma_start3A_107 = arith.constant 0 : i32
      %dma_start3A_108 = tpu.memref_slice %arg6[%add3A_21, %dma_start3A_107] : memref<10240x128xf32, #tpu.memory_space<vmem_shared>> -> memref<80x128xf32, #tpu.memory_space<vmem_shared>>
      tpu.enqueue_dma source(%arg10 : memref<80x128xf32, #tpu.memory_space<vmem>>) target(%dma_start3A_108 : memref<80x128xf32, #tpu.memory_space<vmem_shared>>) target_semaphore(%run_scoped3A_105 : memref<!tpu.dma_semaphore, #tpu.memory_space<semaphore_mem>>)
      %dma_wait3A_109 = arith.constant 0 : i32
      %dma_wait3A_110 = tpu.memref_slice %arg6[%add3A_21, %dma_wait3A_109] : memref<10240x128xf32, #tpu.memory_space<vmem_shared>> -> memref<80x128xf32, #tpu.memory_space<vmem_shared>>
      %dma_wait3A_111 = arith.constant 0 : i32
      %dma_wait3A_112 = tpu.memref_slice %arg6[%add3A_21, %dma_wait3A_111] : memref<10240x128xf32, #tpu.memory_space<vmem_shared>> -> memref<80x128xf32, #tpu.memory_space<vmem_shared>>
      tpu.wait_dma2 semaphore(%run_scoped3A_105 : memref<!tpu.dma_semaphore, #tpu.memory_space<semaphore_mem>>) src(%arg10 : memref<80x128xf32, #tpu.memory_space<vmem>>) dst(%dma_wait3A_112 : memref<80x128xf32, #tpu.memory_space<vmem_shared>>)
      tpu.yield
    }) : () -> ()
    %mul3A_22 = arith.constant 640 : i32
    %mul3A_23 = arith.muli %arg1, %mul3A_22 : i32
    %add3A_24 = arith.constant 320 : i32
    %add3A_25 = arith.addi %mul3A_23, %add3A_24 : i32
    "tpu.region"() ({
      %run_scoped3A_105 = tpu.sem_alloc : memref<!tpu.dma_semaphore, #tpu.memory_space<semaphore_mem>>
      %dma_start3A = arith.constant 0 : i32
      %dma_start3A_106 = tpu.memref_slice %arg6[%add3A_25, %dma_start3A] : memref<10240x128xf32, #tpu.memory_space<vmem_shared>> -> memref<80x128xf32, #tpu.memory_space<vmem_shared>>
      %dma_start3A_107 = arith.constant 0 : i32
      %dma_start3A_108 = tpu.memref_slice %arg6[%add3A_25, %dma_start3A_107] : memref<10240x128xf32, #tpu.memory_space<vmem_shared>> -> memref<80x128xf32, #tpu.memory_space<vmem_shared>>
      tpu.enqueue_dma source(%arg10 : memref<80x128xf32, #tpu.memory_space<vmem>>) target(%dma_start3A_108 : memref<80x128xf32, #tpu.memory_space<vmem_shared>>) target_semaphore(%run_scoped3A_105 : memref<!tpu.dma_semaphore, #tpu.memory_space<semaphore_mem>>)
      %dma_wait3A_109 = arith.constant 0 : i32
      %dma_wait3A_110 = tpu.memref_slice %arg6[%add3A_25, %dma_wait3A_109] : memref<10240x128xf32, #tpu.memory_space<vmem_shared>> -> memref<80x128xf32, #tpu.memory_space<vmem_shared>>
      %dma_wait3A_111 = arith.constant 0 : i32
      %dma_wait3A_112 = tpu.memref_slice %arg6[%add3A_25, %dma_wait3A_111] : memref<10240x128xf32, #tpu.memory_space<vmem_shared>> -> memref<80x128xf32, #tpu.memory_space<vmem_shared>>
      tpu.wait_dma2 semaphore(%run_scoped3A_105 : memref<!tpu.dma_semaphore, #tpu.memory_space<semaphore_mem>>) src(%arg10 : memref<80x128xf32, #tpu.memory_space<vmem>>) dst(%dma_wait3A_112 : memref<80x128xf32, #tpu.memory_space<vmem_shared>>)
      tpu.yield
    }) : () -> ()
    %mul3A_26 = arith.constant 640 : i32
    %mul3A_27 = arith.muli %arg1, %mul3A_26 : i32
    %add3A_28 = arith.constant 400 : i32
    %add3A_29 = arith.addi %mul3A_27, %add3A_28 : i32
    "tpu.region"() ({
      %run_scoped3A_105 = tpu.sem_alloc : memref<!tpu.dma_semaphore, #tpu.memory_space<semaphore_mem>>
      %dma_start3A = arith.constant 0 : i32
      %dma_start3A_106 = tpu.memref_slice %arg6[%add3A_29, %dma_start3A] : memref<10240x128xf32, #tpu.memory_space<vmem_shared>> -> memref<80x128xf32, #tpu.memory_space<vmem_shared>>
      %dma_start3A_107 = arith.constant 0 : i32
      %dma_start3A_108 = tpu.memref_slice %arg6[%add3A_29, %dma_start3A_107] : memref<10240x128xf32, #tpu.memory_space<vmem_shared>> -> memref<80x128xf32, #tpu.memory_space<vmem_shared>>
      tpu.enqueue_dma source(%arg10 : memref<80x128xf32, #tpu.memory_space<vmem>>) target(%dma_start3A_108 : memref<80x128xf32, #tpu.memory_space<vmem_shared>>) target_semaphore(%run_scoped3A_105 : memref<!tpu.dma_semaphore, #tpu.memory_space<semaphore_mem>>)
      %dma_wait3A_109 = arith.constant 0 : i32
      %dma_wait3A_110 = tpu.memref_slice %arg6[%add3A_29, %dma_wait3A_109] : memref<10240x128xf32, #tpu.memory_space<vmem_shared>> -> memref<80x128xf32, #tpu.memory_space<vmem_shared>>
      %dma_wait3A_111 = arith.constant 0 : i32
      %dma_wait3A_112 = tpu.memref_slice %arg6[%add3A_29, %dma_wait3A_111] : memref<10240x128xf32, #tpu.memory_space<vmem_shared>> -> memref<80x128xf32, #tpu.memory_space<vmem_shared>>
      tpu.wait_dma2 semaphore(%run_scoped3A_105 : memref<!tpu.dma_semaphore, #tpu.memory_space<semaphore_mem>>) src(%arg10 : memref<80x128xf32, #tpu.memory_space<vmem>>) dst(%dma_wait3A_112 : memref<80x128xf32, #tpu.memory_space<vmem_shared>>)
      tpu.yield
    }) : () -> ()
    %mul3A_30 = arith.constant 640 : i32
    %mul3A_31 = arith.muli %arg1, %mul3A_30 : i32
    %add3A_32 = arith.constant 480 : i32
    %add3A_33 = arith.addi %mul3A_31, %add3A_32 : i32
    "tpu.region"() ({
      %run_scoped3A_105 = tpu.sem_alloc : memref<!tpu.dma_semaphore, #tpu.memory_space<semaphore_mem>>
      %dma_start3A = arith.constant 0 : i32
      %dma_start3A_106 = tpu.memref_slice %arg6[%add3A_33, %dma_start3A] : memref<10240x128xf32, #tpu.memory_space<vmem_shared>> -> memref<80x128xf32, #tpu.memory_space<vmem_shared>>
      %dma_start3A_107 = arith.constant 0 : i32
      %dma_start3A_108 = tpu.memref_slice %arg6[%add3A_33, %dma_start3A_107] : memref<10240x128xf32, #tpu.memory_space<vmem_shared>> -> memref<80x128xf32, #tpu.memory_space<vmem_shared>>
      tpu.enqueue_dma source(%arg10 : memref<80x128xf32, #tpu.memory_space<vmem>>) target(%dma_start3A_108 : memref<80x128xf32, #tpu.memory_space<vmem_shared>>) target_semaphore(%run_scoped3A_105 : memref<!tpu.dma_semaphore, #tpu.memory_space<semaphore_mem>>)
      %dma_wait3A_109 = arith.constant 0 : i32
      %dma_wait3A_110 = tpu.memref_slice %arg6[%add3A_33, %dma_wait3A_109] : memref<10240x128xf32, #tpu.memory_space<vmem_shared>> -> memref<80x128xf32, #tpu.memory_space<vmem_shared>>
      %dma_wait3A_111 = arith.constant 0 : i32
      %dma_wait3A_112 = tpu.memref_slice %arg6[%add3A_33, %dma_wait3A_111] : memref<10240x128xf32, #tpu.memory_space<vmem_shared>> -> memref<80x128xf32, #tpu.memory_space<vmem_shared>>
      tpu.wait_dma2 semaphore(%run_scoped3A_105 : memref<!tpu.dma_semaphore, #tpu.memory_space<semaphore_mem>>) src(%arg10 : memref<80x128xf32, #tpu.memory_space<vmem>>) dst(%dma_wait3A_112 : memref<80x128xf32, #tpu.memory_space<vmem_shared>>)
      tpu.yield
    }) : () -> ()
    %mul3A_34 = arith.constant 640 : i32
    %mul3A_35 = arith.muli %arg1, %mul3A_34 : i32
    %add3A_36 = arith.constant 560 : i32
    %add3A_37 = arith.addi %mul3A_35, %add3A_36 : i32
    "tpu.region"() ({
      %run_scoped3A_105 = tpu.sem_alloc : memref<!tpu.dma_semaphore, #tpu.memory_space<semaphore_mem>>
      %dma_start3A = arith.constant 0 : i32
      %dma_start3A_106 = tpu.memref_slice %arg6[%add3A_37, %dma_start3A] : memref<10240x128xf32, #tpu.memory_space<vmem_shared>> -> memref<80x128xf32, #tpu.memory_space<vmem_shared>>
      %dma_start3A_107 = arith.constant 0 : i32
      %dma_start3A_108 = tpu.memref_slice %arg6[%add3A_37, %dma_start3A_107] : memref<10240x128xf32, #tpu.memory_space<vmem_shared>> -> memref<80x128xf32, #tpu.memory_space<vmem_shared>>
      tpu.enqueue_dma source(%arg10 : memref<80x128xf32, #tpu.memory_space<vmem>>) target(%dma_start3A_108 : memref<80x128xf32, #tpu.memory_space<vmem_shared>>) target_semaphore(%run_scoped3A_105 : memref<!tpu.dma_semaphore, #tpu.memory_space<semaphore_mem>>)
      %dma_wait3A_109 = arith.constant 0 : i32
      %dma_wait3A_110 = tpu.memref_slice %arg6[%add3A_37, %dma_wait3A_109] : memref<10240x128xf32, #tpu.memory_space<vmem_shared>> -> memref<80x128xf32, #tpu.memory_space<vmem_shared>>
      %dma_wait3A_111 = arith.constant 0 : i32
      %dma_wait3A_112 = tpu.memref_slice %arg6[%add3A_37, %dma_wait3A_111] : memref<10240x128xf32, #tpu.memory_space<vmem_shared>> -> memref<80x128xf32, #tpu.memory_space<vmem_shared>>
      tpu.wait_dma2 semaphore(%run_scoped3A_105 : memref<!tpu.dma_semaphore, #tpu.memory_space<semaphore_mem>>) src(%arg10 : memref<80x128xf32, #tpu.memory_space<vmem>>) dst(%dma_wait3A_112 : memref<80x128xf32, #tpu.memory_space<vmem_shared>>)
      tpu.yield
    }) : () -> ()
    %barrier3A = arith.constant 0 : index
    tpu.barrier barrier_id(%barrier3A)
    "tpu.region"() ({
      %run_scoped3A_105 = tpu.sem_alloc : memref<!tpu.dma_semaphore, #tpu.memory_space<semaphore_mem>>
      %dma_start3A = arith.constant 0 : i32
      %dma_start3A_106 = arith.constant 0 : i32
      %dma_start3A_107 = tpu.memref_slice %arg4[%add3A, %dma_start3A, %dma_start3A_106] : memref<32x125x80xi32, #tpu.memory_space<hbm>> -> memref<1x125x80xi32, #tpu.memory_space<hbm>>
      %dma_start3A_108 = tpu.memref_squeeze %dma_start3A_107 : memref<1x125x80xi32, #tpu.memory_space<hbm>> -> memref<125x80xi32, #tpu.memory_space<hbm>>
      %dma_start3A_109 = arith.constant 0 : i32
      %dma_start3A_110 = arith.constant 0 : i32
      %dma_start3A_111 = tpu.memref_slice %arg4[%add3A, %dma_start3A_109, %dma_start3A_110] : memref<32x125x80xi32, #tpu.memory_space<hbm>> -> memref<1x125x80xi32, #tpu.memory_space<hbm>>
      %dma_start3A_112 = tpu.memref_squeeze %dma_start3A_111 : memref<1x125x80xi32, #tpu.memory_space<hbm>> -> memref<125x80xi32, #tpu.memory_space<hbm>>
      tpu.enqueue_dma source(%dma_start3A_112 : memref<125x80xi32, #tpu.memory_space<hbm>>) target(%arg7 : memref<125x80xi32, #tpu.memory_space<vmem>>) target_semaphore(%run_scoped3A_105 : memref<!tpu.dma_semaphore, #tpu.memory_space<semaphore_mem>>)
      %dma_wait3A_113 = arith.constant 0 : i32
      %dma_wait3A_114 = arith.constant 0 : i32
      %dma_wait3A_115 = tpu.memref_slice %arg4[%add3A, %dma_wait3A_113, %dma_wait3A_114] : memref<32x125x80xi32, #tpu.memory_space<hbm>> -> memref<1x125x80xi32, #tpu.memory_space<hbm>>
      %dma_wait3A_116 = tpu.memref_squeeze %dma_wait3A_115 : memref<1x125x80xi32, #tpu.memory_space<hbm>> -> memref<125x80xi32, #tpu.memory_space<hbm>>
      %dma_wait3A_117 = arith.constant 0 : i32
      %dma_wait3A_118 = arith.constant 0 : i32
      %dma_wait3A_119 = tpu.memref_slice %arg4[%add3A, %dma_wait3A_117, %dma_wait3A_118] : memref<32x125x80xi32, #tpu.memory_space<hbm>> -> memref<1x125x80xi32, #tpu.memory_space<hbm>>
      %dma_wait3A_120 = tpu.memref_squeeze %dma_wait3A_119 : memref<1x125x80xi32, #tpu.memory_space<hbm>> -> memref<125x80xi32, #tpu.memory_space<hbm>>
      tpu.wait_dma2 semaphore(%run_scoped3A_105 : memref<!tpu.dma_semaphore, #tpu.memory_space<semaphore_mem>>) src(%dma_wait3A_120 : memref<125x80xi32, #tpu.memory_space<hbm>>) dst(%arg7 : memref<125x80xi32, #tpu.memory_space<vmem>>)
      tpu.yield
    }) : () -> ()
    %eq3A = arith.constant 0 : i32
    %eq3A_38 = arith.cmpi eq, %add3A, %eq3A : i32
    %convert_element_type3A = arith.extui %eq3A_38 : i1 to i32
    %cond3A = arith.constant 0 : i32
    %cond3A_39 = arith.cmpi ne, %convert_element_type3A, %cond3A : i32
    scf.if %cond3A_39 {
      %dma_start3A = arith.constant 0 : i32
      %dma_start3A_105 = arith.constant 0 : i32
      %dma_start3A_106 = tpu.memref_slice %arg3[%dma_start3A, %dma_start3A_105] : memref<10000x128xf32, #tpu.memory_space<hbm>> -> memref<80x128xf32, #tpu.memory_space<hbm>>
      %dma_start3A_107 = arith.constant 0 : i32
      %dma_start3A_108 = arith.constant 0 : i32
      %dma_start3A_109 = tpu.memref_slice %arg3[%dma_start3A_107, %dma_start3A_108] : memref<10000x128xf32, #tpu.memory_space<hbm>> -> memref<80x128xf32, #tpu.memory_space<hbm>>
      tpu.enqueue_dma source(%dma_start3A_109 : memref<80x128xf32, #tpu.memory_space<hbm>>) target(%arg8 : memref<80x128xf32, #tpu.memory_space<vmem>>) target_semaphore(%arg11 : memref<!tpu.dma_semaphore, #tpu.memory_space<semaphore_mem>>)
    } else {
    }
    %ne3A = arith.constant 0 : i32
    %ne3A_40 = arith.cmpi ne, %add3A, %ne3A : i32
    %convert_element_type3A_41 = arith.extui %ne3A_40 : i1 to i32
    %cond3A_42 = arith.constant 0 : i32
    %cond3A_43 = arith.cmpi ne, %convert_element_type3A_41, %cond3A_42 : i32
    scf.if %cond3A_43 {
      %mul3A_105 = arith.constant 10000 : i32
      %mul3A_106 = arith.muli %add3A, %mul3A_105 : i32
      %sub3A = arith.constant 10000 : i32
      %sub3A_107 = arith.subi %mul3A_106, %sub3A : i32
      %add3A_108 = arith.constant 0 : i32
      %add3A_109 = arith.addi %sub3A_107, %add3A_108 : i32
      %dma_start3A = arith.constant 0 : i32
      %dma_start3A_110 = tpu.memref_slice %arg2[%add3A_109, %dma_start3A] : memref<320000x128xf32, #tpu.memory_space<hbm>> -> memref<80x128xf32, #tpu.memory_space<hbm>>
      %dma_start3A_111 = arith.constant 0 : i32
      %dma_start3A_112 = tpu.memref_slice %arg2[%add3A_109, %dma_start3A_111] : memref<320000x128xf32, #tpu.memory_space<hbm>> -> memref<80x128xf32, #tpu.memory_space<hbm>>
      tpu.enqueue_dma source(%dma_start3A_112 : memref<80x128xf32, #tpu.memory_space<hbm>>) target(%arg8 : memref<80x128xf32, #tpu.memory_space<vmem>>) target_semaphore(%arg11 : memref<!tpu.dma_semaphore, #tpu.memory_space<semaphore_mem>>)
    } else {
    }
    %eq3A_44 = arith.constant 0 : i32
    %eq3A_45 = arith.cmpi eq, %add3A, %eq3A_44 : i32
    %convert_element_type3A_46 = arith.extui %eq3A_45 : i1 to i32
    %cond3A_47 = arith.constant 0 : i32
    %cond3A_48 = arith.cmpi ne, %convert_element_type3A_46, %cond3A_47 : i32
    scf.if %cond3A_48 {
      %dma_start3A = arith.constant 80 : i32
      %dma_start3A_105 = arith.constant 0 : i32
      %dma_start3A_106 = tpu.memref_slice %arg3[%dma_start3A, %dma_start3A_105] : memref<10000x128xf32, #tpu.memory_space<hbm>> -> memref<80x128xf32, #tpu.memory_space<hbm>>
      %dma_start3A_107 = arith.constant 80 : i32
      %dma_start3A_108 = arith.constant 0 : i32
      %dma_start3A_109 = tpu.memref_slice %arg3[%dma_start3A_107, %dma_start3A_108] : memref<10000x128xf32, #tpu.memory_space<hbm>> -> memref<80x128xf32, #tpu.memory_space<hbm>>
      tpu.enqueue_dma source(%dma_start3A_109 : memref<80x128xf32, #tpu.memory_space<hbm>>) target(%arg9 : memref<80x128xf32, #tpu.memory_space<vmem>>) target_semaphore(%arg12 : memref<!tpu.dma_semaphore, #tpu.memory_space<semaphore_mem>>)
    } else {
    }
    %ne3A_49 = arith.constant 0 : i32
    %ne3A_50 = arith.cmpi ne, %add3A, %ne3A_49 : i32
    %convert_element_type3A_51 = arith.extui %ne3A_50 : i1 to i32
    %cond3A_52 = arith.constant 0 : i32
    %cond3A_53 = arith.cmpi ne, %convert_element_type3A_51, %cond3A_52 : i32
    scf.if %cond3A_53 {
      %mul3A_105 = arith.constant 10000 : i32
      %mul3A_106 = arith.muli %add3A, %mul3A_105 : i32
      %sub3A = arith.constant 10000 : i32
      %sub3A_107 = arith.subi %mul3A_106, %sub3A : i32
      %add3A_108 = arith.constant 80 : i32
      %add3A_109 = arith.addi %sub3A_107, %add3A_108 : i32
      %dma_start3A = arith.constant 0 : i32
      %dma_start3A_110 = tpu.memref_slice %arg2[%add3A_109, %dma_start3A] : memref<320000x128xf32, #tpu.memory_space<hbm>> -> memref<80x128xf32, #tpu.memory_space<hbm>>
      %dma_start3A_111 = arith.constant 0 : i32
      %dma_start3A_112 = tpu.memref_slice %arg2[%add3A_109, %dma_start3A_111] : memref<320000x128xf32, #tpu.memory_space<hbm>> -> memref<80x128xf32, #tpu.memory_space<hbm>>
      tpu.enqueue_dma source(%dma_start3A_112 : memref<80x128xf32, #tpu.memory_space<hbm>>) target(%arg9 : memref<80x128xf32, #tpu.memory_space<vmem>>) target_semaphore(%arg12 : memref<!tpu.dma_semaphore, #tpu.memory_space<semaphore_mem>>)
    } else {
    }
    %scan3A_54 = arith.constant 0 : i32
    %scan3A_55 = arith.constant 0 : i32
    %scan3A_56 = arith.constant 41 : i32
    %scan3A_57 = arith.addi %scan3A_55, %scan3A_56 : i32
    %scan3A_58 = arith.constant 1 : i32
    scf.for %scan3A_105 = %scan3A_55 to %scan3A_57 step %scan3A_58  : i32 {
      %mul3A_106 = arith.constant 3 : i32
      %mul3A_107 = arith.muli %mul3A_106, %scan3A_105 : i32
      %add3A_108 = arith.constant 2 : i32
      %add3A_109 = arith.addi %mul3A_107, %add3A_108 : i32
      %eq3A_110 = arith.constant 0 : i32
      %eq3A_111 = arith.cmpi eq, %add3A, %eq3A_110 : i32
      %convert_element_type3A_112 = arith.extui %eq3A_111 : i1 to i32
      %cond3A_113 = arith.constant 0 : i32
      %cond3A_114 = arith.cmpi ne, %convert_element_type3A_112, %cond3A_113 : i32
      scf.if %cond3A_114 {
        %mul3A_166 = arith.constant 80 : i32
        %mul3A_167 = arith.muli %add3A_109, %mul3A_166 : i32
        %dma_start3A = arith.constant 0 : i32
        %dma_start3A_168 = tpu.memref_slice %arg3[%mul3A_167, %dma_start3A] : memref<10000x128xf32, #tpu.memory_space<hbm>> -> memref<80x128xf32, #tpu.memory_space<hbm>>
        %dma_start3A_169 = arith.constant 0 : i32
        %dma_start3A_170 = tpu.memref_slice %arg3[%mul3A_167, %dma_start3A_169] : memref<10000x128xf32, #tpu.memory_space<hbm>> -> memref<80x128xf32, #tpu.memory_space<hbm>>
        tpu.enqueue_dma source(%dma_start3A_170 : memref<80x128xf32, #tpu.memory_space<hbm>>) target(%arg10 : memref<80x128xf32, #tpu.memory_space<vmem>>) target_semaphore(%arg13 : memref<!tpu.dma_semaphore, #tpu.memory_space<semaphore_mem>>)
      } else {
      }
      %ne3A_115 = arith.constant 0 : i32
      %ne3A_116 = arith.cmpi ne, %add3A, %ne3A_115 : i32
      %convert_element_type3A_117 = arith.extui %ne3A_116 : i1 to i32
      %cond3A_118 = arith.constant 0 : i32
      %cond3A_119 = arith.cmpi ne, %convert_element_type3A_117, %cond3A_118 : i32
      scf.if %cond3A_119 {
        %mul3A_166 = arith.constant 10000 : i32
        %mul3A_167 = arith.muli %add3A, %mul3A_166 : i32
        %sub3A = arith.constant 10000 : i32
        %sub3A_168 = arith.subi %mul3A_167, %sub3A : i32
        %mul3A_169 = arith.constant 80 : i32
        %mul3A_170 = arith.muli %add3A_109, %mul3A_169 : i32
        %add3A_171 = arith.addi %sub3A_168, %mul3A_170 : i32
        %dma_start3A = arith.constant 0 : i32
        %dma_start3A_172 = tpu.memref_slice %arg2[%add3A_171, %dma_start3A] : memref<320000x128xf32, #tpu.memory_space<hbm>> -> memref<80x128xf32, #tpu.memory_space<hbm>>
        %dma_start3A_173 = arith.constant 0 : i32
        %dma_start3A_174 = tpu.memref_slice %arg2[%add3A_171, %dma_start3A_173] : memref<320000x128xf32, #tpu.memory_space<hbm>> -> memref<80x128xf32, #tpu.memory_space<hbm>>
        tpu.enqueue_dma source(%dma_start3A_174 : memref<80x128xf32, #tpu.memory_space<hbm>>) target(%arg10 : memref<80x128xf32, #tpu.memory_space<vmem>>) target_semaphore(%arg13 : memref<!tpu.dma_semaphore, #tpu.memory_space<semaphore_mem>>)
      } else {
      }
      %dma_wait3A_120 = arith.constant 0 : i32
      %dma_wait3A_121 = arith.constant 0 : i32
      %dma_wait3A_122 = tpu.memref_slice %arg2[%dma_wait3A_120, %dma_wait3A_121] : memref<320000x128xf32, #tpu.memory_space<hbm>> -> memref<80x128xf32, #tpu.memory_space<hbm>>
      %dma_wait3A_123 = arith.constant 0 : i32
      %dma_wait3A_124 = arith.constant 0 : i32
      %dma_wait3A_125 = tpu.memref_slice %arg2[%dma_wait3A_123, %dma_wait3A_124] : memref<320000x128xf32, #tpu.memory_space<hbm>> -> memref<80x128xf32, #tpu.memory_space<hbm>>
      tpu.wait_dma2 semaphore(%arg11 : memref<!tpu.dma_semaphore, #tpu.memory_space<semaphore_mem>>) src(%dma_wait3A_125 : memref<80x128xf32, #tpu.memory_space<hbm>>) dst(%arg8 : memref<80x128xf32, #tpu.memory_space<vmem>>)
      "tpu.region"() ({
        %run_scoped3A_166 = tpu.sem_alloc : memref<!tpu.dma_semaphore, #tpu.memory_space<semaphore_mem>>
        %dma_start3A = arith.constant 0 : i32
        %dma_start3A_167 = tpu.memref_slice %arg7[%mul3A_107, %dma_start3A] : memref<125x80xi32, #tpu.memory_space<vmem>> -> memref<1x80xi32, #tpu.memory_space<vmem>>
        %dma_start3A_168 = tpu.memref_squeeze %dma_start3A_167 : memref<1x80xi32, #tpu.memory_space<vmem>> -> memref<80xi32, #tpu.memory_space<vmem>>
        %dma_start3A_169 = arith.constant 0 : i32
        %dma_start3A_170 = arith.constant 0 : i32
        %dma_start3A_171 = tpu.memref_slice %arg6[%dma_start3A_169, %dma_start3A_170] : memref<10240x128xf32, #tpu.memory_space<vmem_shared>> -> memref<10240x128xf32, #tpu.memory_space<vmem_shared>>
        tpu.enqueue_indirect_dma source(%arg8 : memref<80x128xf32, #tpu.memory_space<vmem>>) target(%dma_start3A_171 : memref<10240x128xf32, #tpu.memory_space<vmem_shared>>) offsets(%dma_start3A_168 : memref<80xi32, #tpu.memory_space<vmem>>) semaphore(%run_scoped3A_166 : memref<!tpu.dma_semaphore, #tpu.memory_space<semaphore_mem>>) {add = true}
        %dma_wait3A_172 = arith.constant 0 : i32
        %dma_wait3A_173 = tpu.memref_slice %arg7[%mul3A_107, %dma_wait3A_172] : memref<125x80xi32, #tpu.memory_space<vmem>> -> memref<1x80xi32, #tpu.memory_space<vmem>>
        %dma_wait3A_174 = tpu.memref_squeeze %dma_wait3A_173 : memref<1x80xi32, #tpu.memory_space<vmem>> -> memref<80xi32, #tpu.memory_space<vmem>>
        %dma_wait3A_175 = arith.constant 0 : i32
        %dma_wait3A_176 = arith.constant 0 : i32
        %dma_wait3A_177 = tpu.memref_slice %arg6[%dma_wait3A_175, %dma_wait3A_176] : memref<10240x128xf32, #tpu.memory_space<vmem_shared>> -> memref<10240x128xf32, #tpu.memory_space<vmem_shared>>
        tpu.wait_indirect_dma semaphore(%run_scoped3A_166 : memref<!tpu.dma_semaphore, #tpu.memory_space<semaphore_mem>>) src(%arg8 : memref<80x128xf32, #tpu.memory_space<vmem>>) dst(%dma_wait3A_177 : memref<10240x128xf32, #tpu.memory_space<vmem_shared>>)
        tpu.yield
      }) : () -> ()
      %add3A_126 = arith.constant 3 : i32
      %add3A_127 = arith.addi %mul3A_107, %add3A_126 : i32
      %eq3A_128 = arith.constant 0 : i32
      %eq3A_129 = arith.cmpi eq, %add3A, %eq3A_128 : i32
      %convert_element_type3A_130 = arith.extui %eq3A_129 : i1 to i32
      %cond3A_131 = arith.constant 0 : i32
      %cond3A_132 = arith.cmpi ne, %convert_element_type3A_130, %cond3A_131 : i32
      scf.if %cond3A_132 {
        %mul3A_166 = arith.constant 80 : i32
        %mul3A_167 = arith.muli %add3A_127, %mul3A_166 : i32
        %dma_start3A = arith.constant 0 : i32
        %dma_start3A_168 = tpu.memref_slice %arg3[%mul3A_167, %dma_start3A] : memref<10000x128xf32, #tpu.memory_space<hbm>> -> memref<80x128xf32, #tpu.memory_space<hbm>>
        %dma_start3A_169 = arith.constant 0 : i32
        %dma_start3A_170 = tpu.memref_slice %arg3[%mul3A_167, %dma_start3A_169] : memref<10000x128xf32, #tpu.memory_space<hbm>> -> memref<80x128xf32, #tpu.memory_space<hbm>>
        tpu.enqueue_dma source(%dma_start3A_170 : memref<80x128xf32, #tpu.memory_space<hbm>>) target(%arg8 : memref<80x128xf32, #tpu.memory_space<vmem>>) target_semaphore(%arg11 : memref<!tpu.dma_semaphore, #tpu.memory_space<semaphore_mem>>)
      } else {
      }
      %ne3A_133 = arith.constant 0 : i32
      %ne3A_134 = arith.cmpi ne, %add3A, %ne3A_133 : i32
      %convert_element_type3A_135 = arith.extui %ne3A_134 : i1 to i32
      %cond3A_136 = arith.constant 0 : i32
      %cond3A_137 = arith.cmpi ne, %convert_element_type3A_135, %cond3A_136 : i32
      scf.if %cond3A_137 {
        %mul3A_166 = arith.constant 10000 : i32
        %mul3A_167 = arith.muli %add3A, %mul3A_166 : i32
        %sub3A = arith.constant 10000 : i32
        %sub3A_168 = arith.subi %mul3A_167, %sub3A : i32
        %mul3A_169 = arith.constant 80 : i32
        %mul3A_170 = arith.muli %add3A_127, %mul3A_169 : i32
        %add3A_171 = arith.addi %sub3A_168, %mul3A_170 : i32
        %dma_start3A = arith.constant 0 : i32
        %dma_start3A_172 = tpu.memref_slice %arg2[%add3A_171, %dma_start3A] : memref<320000x128xf32, #tpu.memory_space<hbm>> -> memref<80x128xf32, #tpu.memory_space<hbm>>
        %dma_start3A_173 = arith.constant 0 : i32
        %dma_start3A_174 = tpu.memref_slice %arg2[%add3A_171, %dma_start3A_173] : memref<320000x128xf32, #tpu.memory_space<hbm>> -> memref<80x128xf32, #tpu.memory_space<hbm>>
        tpu.enqueue_dma source(%dma_start3A_174 : memref<80x128xf32, #tpu.memory_space<hbm>>) target(%arg8 : memref<80x128xf32, #tpu.memory_space<vmem>>) target_semaphore(%arg11 : memref<!tpu.dma_semaphore, #tpu.memory_space<semaphore_mem>>)
      } else {
      }
      %add3A_138 = arith.constant 1 : i32
      %add3A_139 = arith.addi %mul3A_107, %add3A_138 : i32
      %dma_wait3A_140 = arith.constant 0 : i32
      %dma_wait3A_141 = arith.constant 0 : i32
      %dma_wait3A_142 = tpu.memref_slice %arg2[%dma_wait3A_140, %dma_wait3A_141] : memref<320000x128xf32, #tpu.memory_space<hbm>> -> memref<80x128xf32, #tpu.memory_space<hbm>>
      %dma_wait3A_143 = arith.constant 0 : i32
      %dma_wait3A_144 = arith.constant 0 : i32
      %dma_wait3A_145 = tpu.memref_slice %arg2[%dma_wait3A_143, %dma_wait3A_144] : memref<320000x128xf32, #tpu.memory_space<hbm>> -> memref<80x128xf32, #tpu.memory_space<hbm>>
      tpu.wait_dma2 semaphore(%arg12 : memref<!tpu.dma_semaphore, #tpu.memory_space<semaphore_mem>>) src(%dma_wait3A_145 : memref<80x128xf32, #tpu.memory_space<hbm>>) dst(%arg9 : memref<80x128xf32, #tpu.memory_space<vmem>>)
      "tpu.region"() ({
        %run_scoped3A_166 = tpu.sem_alloc : memref<!tpu.dma_semaphore, #tpu.memory_space<semaphore_mem>>
        %dma_start3A = arith.constant 0 : i32
        %dma_start3A_167 = tpu.memref_slice %arg7[%add3A_139, %dma_start3A] : memref<125x80xi32, #tpu.memory_space<vmem>> -> memref<1x80xi32, #tpu.memory_space<vmem>>
        %dma_start3A_168 = tpu.memref_squeeze %dma_start3A_167 : memref<1x80xi32, #tpu.memory_space<vmem>> -> memref<80xi32, #tpu.memory_space<vmem>>
        %dma_start3A_169 = arith.constant 0 : i32
        %dma_start3A_170 = arith.constant 0 : i32
        %dma_start3A_171 = tpu.memref_slice %arg6[%dma_start3A_169, %dma_start3A_170] : memref<10240x128xf32, #tpu.memory_space<vmem_shared>> -> memref<10240x128xf32, #tpu.memory_space<vmem_shared>>
        tpu.enqueue_indirect_dma source(%arg9 : memref<80x128xf32, #tpu.memory_space<vmem>>) target(%dma_start3A_171 : memref<10240x128xf32, #tpu.memory_space<vmem_shared>>) offsets(%dma_start3A_168 : memref<80xi32, #tpu.memory_space<vmem>>) semaphore(%run_scoped3A_166 : memref<!tpu.dma_semaphore, #tpu.memory_space<semaphore_mem>>) {add = true}
        %dma_wait3A_172 = arith.constant 0 : i32
        %dma_wait3A_173 = tpu.memref_slice %arg7[%add3A_139, %dma_wait3A_172] : memref<125x80xi32, #tpu.memory_space<vmem>> -> memref<1x80xi32, #tpu.memory_space<vmem>>
        %dma_wait3A_174 = tpu.memref_squeeze %dma_wait3A_173 : memref<1x80xi32, #tpu.memory_space<vmem>> -> memref<80xi32, #tpu.memory_space<vmem>>
        %dma_wait3A_175 = arith.constant 0 : i32
        %dma_wait3A_176 = arith.constant 0 : i32
        %dma_wait3A_177 = tpu.memref_slice %arg6[%dma_wait3A_175, %dma_wait3A_176] : memref<10240x128xf32, #tpu.memory_space<vmem_shared>> -> memref<10240x128xf32, #tpu.memory_space<vmem_shared>>
        tpu.wait_indirect_dma semaphore(%run_scoped3A_166 : memref<!tpu.dma_semaphore, #tpu.memory_space<semaphore_mem>>) src(%arg9 : memref<80x128xf32, #tpu.memory_space<vmem>>) dst(%dma_wait3A_177 : memref<10240x128xf32, #tpu.memory_space<vmem_shared>>)
        tpu.yield
      }) : () -> ()
      %add3A_146 = arith.constant 4 : i32
      %add3A_147 = arith.addi %mul3A_107, %add3A_146 : i32
      %eq3A_148 = arith.constant 0 : i32
      %eq3A_149 = arith.cmpi eq, %add3A, %eq3A_148 : i32
      %convert_element_type3A_150 = arith.extui %eq3A_149 : i1 to i32
      %cond3A_151 = arith.constant 0 : i32
      %cond3A_152 = arith.cmpi ne, %convert_element_type3A_150, %cond3A_151 : i32
      scf.if %cond3A_152 {
        %mul3A_166 = arith.constant 80 : i32
        %mul3A_167 = arith.muli %add3A_147, %mul3A_166 : i32
        %dma_start3A = arith.constant 0 : i32
        %dma_start3A_168 = tpu.memref_slice %arg3[%mul3A_167, %dma_start3A] : memref<10000x128xf32, #tpu.memory_space<hbm>> -> memref<80x128xf32, #tpu.memory_space<hbm>>
        %dma_start3A_169 = arith.constant 0 : i32
        %dma_start3A_170 = tpu.memref_slice %arg3[%mul3A_167, %dma_start3A_169] : memref<10000x128xf32, #tpu.memory_space<hbm>> -> memref<80x128xf32, #tpu.memory_space<hbm>>
        tpu.enqueue_dma source(%dma_start3A_170 : memref<80x128xf32, #tpu.memory_space<hbm>>) target(%arg9 : memref<80x128xf32, #tpu.memory_space<vmem>>) target_semaphore(%arg12 : memref<!tpu.dma_semaphore, #tpu.memory_space<semaphore_mem>>)
      } else {
      }
      %ne3A_153 = arith.constant 0 : i32
      %ne3A_154 = arith.cmpi ne, %add3A, %ne3A_153 : i32
      %convert_element_type3A_155 = arith.extui %ne3A_154 : i1 to i32
      %cond3A_156 = arith.constant 0 : i32
      %cond3A_157 = arith.cmpi ne, %convert_element_type3A_155, %cond3A_156 : i32
      scf.if %cond3A_157 {
        %mul3A_166 = arith.constant 10000 : i32
        %mul3A_167 = arith.muli %add3A, %mul3A_166 : i32
        %sub3A = arith.constant 10000 : i32
        %sub3A_168 = arith.subi %mul3A_167, %sub3A : i32
        %mul3A_169 = arith.constant 80 : i32
        %mul3A_170 = arith.muli %add3A_147, %mul3A_169 : i32
        %add3A_171 = arith.addi %sub3A_168, %mul3A_170 : i32
        %dma_start3A = arith.constant 0 : i32
        %dma_start3A_172 = tpu.memref_slice %arg2[%add3A_171, %dma_start3A] : memref<320000x128xf32, #tpu.memory_space<hbm>> -> memref<80x128xf32, #tpu.memory_space<hbm>>
        %dma_start3A_173 = arith.constant 0 : i32
        %dma_start3A_174 = tpu.memref_slice %arg2[%add3A_171, %dma_start3A_173] : memref<320000x128xf32, #tpu.memory_space<hbm>> -> memref<80x128xf32, #tpu.memory_space<hbm>>
        tpu.enqueue_dma source(%dma_start3A_174 : memref<80x128xf32, #tpu.memory_space<hbm>>) target(%arg9 : memref<80x128xf32, #tpu.memory_space<vmem>>) target_semaphore(%arg12 : memref<!tpu.dma_semaphore, #tpu.memory_space<semaphore_mem>>)
      } else {
      }
      %add3A_158 = arith.constant 2 : i32
      %add3A_159 = arith.addi %mul3A_107, %add3A_158 : i32
      %dma_wait3A_160 = arith.constant 0 : i32
      %dma_wait3A_161 = arith.constant 0 : i32
      %dma_wait3A_162 = tpu.memref_slice %arg2[%dma_wait3A_160, %dma_wait3A_161] : memref<320000x128xf32, #tpu.memory_space<hbm>> -> memref<80x128xf32, #tpu.memory_space<hbm>>
      %dma_wait3A_163 = arith.constant 0 : i32
      %dma_wait3A_164 = arith.constant 0 : i32
      %dma_wait3A_165 = tpu.memref_slice %arg2[%dma_wait3A_163, %dma_wait3A_164] : memref<320000x128xf32, #tpu.memory_space<hbm>> -> memref<80x128xf32, #tpu.memory_space<hbm>>
      tpu.wait_dma2 semaphore(%arg13 : memref<!tpu.dma_semaphore, #tpu.memory_space<semaphore_mem>>) src(%dma_wait3A_165 : memref<80x128xf32, #tpu.memory_space<hbm>>) dst(%arg10 : memref<80x128xf32, #tpu.memory_space<vmem>>)
      "tpu.region"() ({
        %run_scoped3A_166 = tpu.sem_alloc : memref<!tpu.dma_semaphore, #tpu.memory_space<semaphore_mem>>
        %dma_start3A = arith.constant 0 : i32
        %dma_start3A_167 = tpu.memref_slice %arg7[%add3A_159, %dma_start3A] : memref<125x80xi32, #tpu.memory_space<vmem>> -> memref<1x80xi32, #tpu.memory_space<vmem>>
        %dma_start3A_168 = tpu.memref_squeeze %dma_start3A_167 : memref<1x80xi32, #tpu.memory_space<vmem>> -> memref<80xi32, #tpu.memory_space<vmem>>
        %dma_start3A_169 = arith.constant 0 : i32
        %dma_start3A_170 = arith.constant 0 : i32
        %dma_start3A_171 = tpu.memref_slice %arg6[%dma_start3A_169, %dma_start3A_170] : memref<10240x128xf32, #tpu.memory_space<vmem_shared>> -> memref<10240x128xf32, #tpu.memory_space<vmem_shared>>
        tpu.enqueue_indirect_dma source(%arg10 : memref<80x128xf32, #tpu.memory_space<vmem>>) target(%dma_start3A_171 : memref<10240x128xf32, #tpu.memory_space<vmem_shared>>) offsets(%dma_start3A_168 : memref<80xi32, #tpu.memory_space<vmem>>) semaphore(%run_scoped3A_166 : memref<!tpu.dma_semaphore, #tpu.memory_space<semaphore_mem>>) {add = true}
        %dma_wait3A_172 = arith.constant 0 : i32
        %dma_wait3A_173 = tpu.memref_slice %arg7[%add3A_159, %dma_wait3A_172] : memref<125x80xi32, #tpu.memory_space<vmem>> -> memref<1x80xi32, #tpu.memory_space<vmem>>
        %dma_wait3A_174 = tpu.memref_squeeze %dma_wait3A_173 : memref<1x80xi32, #tpu.memory_space<vmem>> -> memref<80xi32, #tpu.memory_space<vmem>>
        %dma_wait3A_175 = arith.constant 0 : i32
        %dma_wait3A_176 = arith.constant 0 : i32
        %dma_wait3A_177 = tpu.memref_slice %arg6[%dma_wait3A_175, %dma_wait3A_176] : memref<10240x128xf32, #tpu.memory_space<vmem_shared>> -> memref<10240x128xf32, #tpu.memory_space<vmem_shared>>
        tpu.wait_indirect_dma semaphore(%run_scoped3A_166 : memref<!tpu.dma_semaphore, #tpu.memory_space<semaphore_mem>>) src(%arg10 : memref<80x128xf32, #tpu.memory_space<vmem>>) dst(%dma_wait3A_177 : memref<10240x128xf32, #tpu.memory_space<vmem_shared>>)
        tpu.yield
      }) : () -> ()
    }
    %scan3A_59 = arith.constant 41 : i32
    %dma_wait3A = arith.constant 0 : i32
    %dma_wait3A_60 = arith.constant 0 : i32
    %dma_wait3A_61 = tpu.memref_slice %arg2[%dma_wait3A, %dma_wait3A_60] : memref<320000x128xf32, #tpu.memory_space<hbm>> -> memref<80x128xf32, #tpu.memory_space<hbm>>
    %dma_wait3A_62 = arith.constant 0 : i32
    %dma_wait3A_63 = arith.constant 0 : i32
    %dma_wait3A_64 = tpu.memref_slice %arg2[%dma_wait3A_62, %dma_wait3A_63] : memref<320000x128xf32, #tpu.memory_space<hbm>> -> memref<80x128xf32, #tpu.memory_space<hbm>>
    tpu.wait_dma2 semaphore(%arg11 : memref<!tpu.dma_semaphore, #tpu.memory_space<semaphore_mem>>) src(%dma_wait3A_64 : memref<80x128xf32, #tpu.memory_space<hbm>>) dst(%arg8 : memref<80x128xf32, #tpu.memory_space<vmem>>)
    %run_scoped3A = arith.constant 123 : i32
    "tpu.region"() ({
      %run_scoped3A_105 = tpu.sem_alloc : memref<!tpu.dma_semaphore, #tpu.memory_space<semaphore_mem>>
      %dma_start3A = arith.constant 0 : i32
      %dma_start3A_106 = tpu.memref_slice %arg7[%run_scoped3A, %dma_start3A] : memref<125x80xi32, #tpu.memory_space<vmem>> -> memref<1x80xi32, #tpu.memory_space<vmem>>
      %dma_start3A_107 = tpu.memref_squeeze %dma_start3A_106 : memref<1x80xi32, #tpu.memory_space<vmem>> -> memref<80xi32, #tpu.memory_space<vmem>>
      %dma_start3A_108 = arith.constant 0 : i32
      %dma_start3A_109 = arith.constant 0 : i32
      %dma_start3A_110 = tpu.memref_slice %arg6[%dma_start3A_108, %dma_start3A_109] : memref<10240x128xf32, #tpu.memory_space<vmem_shared>> -> memref<10240x128xf32, #tpu.memory_space<vmem_shared>>
      tpu.enqueue_indirect_dma source(%arg8 : memref<80x128xf32, #tpu.memory_space<vmem>>) target(%dma_start3A_110 : memref<10240x128xf32, #tpu.memory_space<vmem_shared>>) offsets(%dma_start3A_107 : memref<80xi32, #tpu.memory_space<vmem>>) semaphore(%run_scoped3A_105 : memref<!tpu.dma_semaphore, #tpu.memory_space<semaphore_mem>>) {add = true}
      %dma_wait3A_111 = arith.constant 0 : i32
      %dma_wait3A_112 = tpu.memref_slice %arg7[%run_scoped3A, %dma_wait3A_111] : memref<125x80xi32, #tpu.memory_space<vmem>> -> memref<1x80xi32, #tpu.memory_space<vmem>>
      %dma_wait3A_113 = tpu.memref_squeeze %dma_wait3A_112 : memref<1x80xi32, #tpu.memory_space<vmem>> -> memref<80xi32, #tpu.memory_space<vmem>>
      %dma_wait3A_114 = arith.constant 0 : i32
      %dma_wait3A_115 = arith.constant 0 : i32
      %dma_wait3A_116 = tpu.memref_slice %arg6[%dma_wait3A_114, %dma_wait3A_115] : memref<10240x128xf32, #tpu.memory_space<vmem_shared>> -> memref<10240x128xf32, #tpu.memory_space<vmem_shared>>
      tpu.wait_indirect_dma semaphore(%run_scoped3A_105 : memref<!tpu.dma_semaphore, #tpu.memory_space<semaphore_mem>>) src(%arg8 : memref<80x128xf32, #tpu.memory_space<vmem>>) dst(%dma_wait3A_116 : memref<10240x128xf32, #tpu.memory_space<vmem_shared>>)
      tpu.yield
    }) : () -> ()
    %dma_wait3A_65 = arith.constant 0 : i32
    %dma_wait3A_66 = arith.constant 0 : i32
    %dma_wait3A_67 = tpu.memref_slice %arg2[%dma_wait3A_65, %dma_wait3A_66] : memref<320000x128xf32, #tpu.memory_space<hbm>> -> memref<80x128xf32, #tpu.memory_space<hbm>>
    %dma_wait3A_68 = arith.constant 0 : i32
    %dma_wait3A_69 = arith.constant 0 : i32
    %dma_wait3A_70 = tpu.memref_slice %arg2[%dma_wait3A_68, %dma_wait3A_69] : memref<320000x128xf32, #tpu.memory_space<hbm>> -> memref<80x128xf32, #tpu.memory_space<hbm>>
    tpu.wait_dma2 semaphore(%arg12 : memref<!tpu.dma_semaphore, #tpu.memory_space<semaphore_mem>>) src(%dma_wait3A_70 : memref<80x128xf32, #tpu.memory_space<hbm>>) dst(%arg9 : memref<80x128xf32, #tpu.memory_space<vmem>>)
    %run_scoped3A_71 = arith.constant 124 : i32
    "tpu.region"() ({
      %run_scoped3A_105 = tpu.sem_alloc : memref<!tpu.dma_semaphore, #tpu.memory_space<semaphore_mem>>
      %dma_start3A = arith.constant 0 : i32
      %dma_start3A_106 = tpu.memref_slice %arg7[%run_scoped3A_71, %dma_start3A] : memref<125x80xi32, #tpu.memory_space<vmem>> -> memref<1x80xi32, #tpu.memory_space<vmem>>
      %dma_start3A_107 = tpu.memref_squeeze %dma_start3A_106 : memref<1x80xi32, #tpu.memory_space<vmem>> -> memref<80xi32, #tpu.memory_space<vmem>>
      %dma_start3A_108 = arith.constant 0 : i32
      %dma_start3A_109 = arith.constant 0 : i32
      %dma_start3A_110 = tpu.memref_slice %arg6[%dma_start3A_108, %dma_start3A_109] : memref<10240x128xf32, #tpu.memory_space<vmem_shared>> -> memref<10240x128xf32, #tpu.memory_space<vmem_shared>>
      tpu.enqueue_indirect_dma source(%arg9 : memref<80x128xf32, #tpu.memory_space<vmem>>) target(%dma_start3A_110 : memref<10240x128xf32, #tpu.memory_space<vmem_shared>>) offsets(%dma_start3A_107 : memref<80xi32, #tpu.memory_space<vmem>>) semaphore(%run_scoped3A_105 : memref<!tpu.dma_semaphore, #tpu.memory_space<semaphore_mem>>) {add = true}
      %dma_wait3A_111 = arith.constant 0 : i32
      %dma_wait3A_112 = tpu.memref_slice %arg7[%run_scoped3A_71, %dma_wait3A_111] : memref<125x80xi32, #tpu.memory_space<vmem>> -> memref<1x80xi32, #tpu.memory_space<vmem>>
      %dma_wait3A_113 = tpu.memref_squeeze %dma_wait3A_112 : memref<1x80xi32, #tpu.memory_space<vmem>> -> memref<80xi32, #tpu.memory_space<vmem>>
      %dma_wait3A_114 = arith.constant 0 : i32
      %dma_wait3A_115 = arith.constant 0 : i32
      %dma_wait3A_116 = tpu.memref_slice %arg6[%dma_wait3A_114, %dma_wait3A_115] : memref<10240x128xf32, #tpu.memory_space<vmem_shared>> -> memref<10240x128xf32, #tpu.memory_space<vmem_shared>>
      tpu.wait_indirect_dma semaphore(%run_scoped3A_105 : memref<!tpu.dma_semaphore, #tpu.memory_space<semaphore_mem>>) src(%arg9 : memref<80x128xf32, #tpu.memory_space<vmem>>) dst(%dma_wait3A_116 : memref<10240x128xf32, #tpu.memory_space<vmem_shared>>)
      tpu.yield
    }) : () -> ()
    %barrier3A_72 = arith.constant 0 : index
    tpu.barrier barrier_id(%barrier3A_72)
    %mul3A_73 = arith.constant 640 : i32
    %mul3A_74 = arith.muli %arg1, %mul3A_73 : i32
    %add3A_75 = arith.constant 0 : i32
    %add3A_76 = arith.addi %mul3A_74, %add3A_75 : i32
    "tpu.region"() ({
      %run_scoped3A_105 = tpu.sem_alloc : memref<!tpu.dma_semaphore, #tpu.memory_space<semaphore_mem>>
      %dma_start3A = arith.constant 0 : i32
      %dma_start3A_106 = tpu.memref_slice %arg5[%arg0, %add3A_76, %dma_start3A] : memref<2x10240x128xf32, #tpu.memory_space<hbm>> -> memref<1x80x128xf32, #tpu.memory_space<hbm>>
      %dma_start3A_107 = tpu.memref_squeeze %dma_start3A_106 : memref<1x80x128xf32, #tpu.memory_space<hbm>> -> memref<80x128xf32, #tpu.memory_space<hbm>>
      %dma_start3A_108 = arith.constant 0 : i32
      %dma_start3A_109 = tpu.memref_slice %arg6[%add3A_76, %dma_start3A_108] : memref<10240x128xf32, #tpu.memory_space<vmem_shared>> -> memref<80x128xf32, #tpu.memory_space<vmem_shared>>
      tpu.enqueue_dma source(%dma_start3A_109 : memref<80x128xf32, #tpu.memory_space<vmem_shared>>) target(%dma_start3A_107 : memref<80x128xf32, #tpu.memory_space<hbm>>) target_semaphore(%run_scoped3A_105 : memref<!tpu.dma_semaphore, #tpu.memory_space<semaphore_mem>>)
      %dma_wait3A_110 = arith.constant 0 : i32
      %dma_wait3A_111 = tpu.memref_slice %arg5[%arg0, %add3A_76, %dma_wait3A_110] : memref<2x10240x128xf32, #tpu.memory_space<hbm>> -> memref<1x80x128xf32, #tpu.memory_space<hbm>>
      %dma_wait3A_112 = tpu.memref_squeeze %dma_wait3A_111 : memref<1x80x128xf32, #tpu.memory_space<hbm>> -> memref<80x128xf32, #tpu.memory_space<hbm>>
      %dma_wait3A_113 = arith.constant 0 : i32
      %dma_wait3A_114 = tpu.memref_slice %arg6[%add3A_76, %dma_wait3A_113] : memref<10240x128xf32, #tpu.memory_space<vmem_shared>> -> memref<80x128xf32, #tpu.memory_space<vmem_shared>>
      tpu.wait_dma2 semaphore(%run_scoped3A_105 : memref<!tpu.dma_semaphore, #tpu.memory_space<semaphore_mem>>) src(%dma_wait3A_114 : memref<80x128xf32, #tpu.memory_space<vmem_shared>>) dst(%dma_wait3A_112 : memref<80x128xf32, #tpu.memory_space<hbm>>)
      tpu.yield
    }) : () -> ()
    %mul3A_77 = arith.constant 640 : i32
    %mul3A_78 = arith.muli %arg1, %mul3A_77 : i32
    %add3A_79 = arith.constant 80 : i32
    %add3A_80 = arith.addi %mul3A_78, %add3A_79 : i32
    "tpu.region"() ({
      %run_scoped3A_105 = tpu.sem_alloc : memref<!tpu.dma_semaphore, #tpu.memory_space<semaphore_mem>>
      %dma_start3A = arith.constant 0 : i32
      %dma_start3A_106 = tpu.memref_slice %arg5[%arg0, %add3A_80, %dma_start3A] : memref<2x10240x128xf32, #tpu.memory_space<hbm>> -> memref<1x80x128xf32, #tpu.memory_space<hbm>>
      %dma_start3A_107 = tpu.memref_squeeze %dma_start3A_106 : memref<1x80x128xf32, #tpu.memory_space<hbm>> -> memref<80x128xf32, #tpu.memory_space<hbm>>
      %dma_start3A_108 = arith.constant 0 : i32
      %dma_start3A_109 = tpu.memref_slice %arg6[%add3A_80, %dma_start3A_108] : memref<10240x128xf32, #tpu.memory_space<vmem_shared>> -> memref<80x128xf32, #tpu.memory_space<vmem_shared>>
      tpu.enqueue_dma source(%dma_start3A_109 : memref<80x128xf32, #tpu.memory_space<vmem_shared>>) target(%dma_start3A_107 : memref<80x128xf32, #tpu.memory_space<hbm>>) target_semaphore(%run_scoped3A_105 : memref<!tpu.dma_semaphore, #tpu.memory_space<semaphore_mem>>)
      %dma_wait3A_110 = arith.constant 0 : i32
      %dma_wait3A_111 = tpu.memref_slice %arg5[%arg0, %add3A_80, %dma_wait3A_110] : memref<2x10240x128xf32, #tpu.memory_space<hbm>> -> memref<1x80x128xf32, #tpu.memory_space<hbm>>
      %dma_wait3A_112 = tpu.memref_squeeze %dma_wait3A_111 : memref<1x80x128xf32, #tpu.memory_space<hbm>> -> memref<80x128xf32, #tpu.memory_space<hbm>>
      %dma_wait3A_113 = arith.constant 0 : i32
      %dma_wait3A_114 = tpu.memref_slice %arg6[%add3A_80, %dma_wait3A_113] : memref<10240x128xf32, #tpu.memory_space<vmem_shared>> -> memref<80x128xf32, #tpu.memory_space<vmem_shared>>
      tpu.wait_dma2 semaphore(%run_scoped3A_105 : memref<!tpu.dma_semaphore, #tpu.memory_space<semaphore_mem>>) src(%dma_wait3A_114 : memref<80x128xf32, #tpu.memory_space<vmem_shared>>) dst(%dma_wait3A_112 : memref<80x128xf32, #tpu.memory_space<hbm>>)
      tpu.yield
    }) : () -> ()
    %mul3A_81 = arith.constant 640 : i32
    %mul3A_82 = arith.muli %arg1, %mul3A_81 : i32
    %add3A_83 = arith.constant 160 : i32
    %add3A_84 = arith.addi %mul3A_82, %add3A_83 : i32
    "tpu.region"() ({
      %run_scoped3A_105 = tpu.sem_alloc : memref<!tpu.dma_semaphore, #tpu.memory_space<semaphore_mem>>
      %dma_start3A = arith.constant 0 : i32
      %dma_start3A_106 = tpu.memref_slice %arg5[%arg0, %add3A_84, %dma_start3A] : memref<2x10240x128xf32, #tpu.memory_space<hbm>> -> memref<1x80x128xf32, #tpu.memory_space<hbm>>
      %dma_start3A_107 = tpu.memref_squeeze %dma_start3A_106 : memref<1x80x128xf32, #tpu.memory_space<hbm>> -> memref<80x128xf32, #tpu.memory_space<hbm>>
      %dma_start3A_108 = arith.constant 0 : i32
      %dma_start3A_109 = tpu.memref_slice %arg6[%add3A_84, %dma_start3A_108] : memref<10240x128xf32, #tpu.memory_space<vmem_shared>> -> memref<80x128xf32, #tpu.memory_space<vmem_shared>>
      tpu.enqueue_dma source(%dma_start3A_109 : memref<80x128xf32, #tpu.memory_space<vmem_shared>>) target(%dma_start3A_107 : memref<80x128xf32, #tpu.memory_space<hbm>>) target_semaphore(%run_scoped3A_105 : memref<!tpu.dma_semaphore, #tpu.memory_space<semaphore_mem>>)
      %dma_wait3A_110 = arith.constant 0 : i32
      %dma_wait3A_111 = tpu.memref_slice %arg5[%arg0, %add3A_84, %dma_wait3A_110] : memref<2x10240x128xf32, #tpu.memory_space<hbm>> -> memref<1x80x128xf32, #tpu.memory_space<hbm>>
      %dma_wait3A_112 = tpu.memref_squeeze %dma_wait3A_111 : memref<1x80x128xf32, #tpu.memory_space<hbm>> -> memref<80x128xf32, #tpu.memory_space<hbm>>
      %dma_wait3A_113 = arith.constant 0 : i32
      %dma_wait3A_114 = tpu.memref_slice %arg6[%add3A_84, %dma_wait3A_113] : memref<10240x128xf32, #tpu.memory_space<vmem_shared>> -> memref<80x128xf32, #tpu.memory_space<vmem_shared>>
      tpu.wait_dma2 semaphore(%run_scoped3A_105 : memref<!tpu.dma_semaphore, #tpu.memory_space<semaphore_mem>>) src(%dma_wait3A_114 : memref<80x128xf32, #tpu.memory_space<vmem_shared>>) dst(%dma_wait3A_112 : memref<80x128xf32, #tpu.memory_space<hbm>>)
      tpu.yield
    }) : () -> ()
    %mul3A_85 = arith.constant 640 : i32
    %mul3A_86 = arith.muli %arg1, %mul3A_85 : i32
    %add3A_87 = arith.constant 240 : i32
    %add3A_88 = arith.addi %mul3A_86, %add3A_87 : i32
    "tpu.region"() ({
      %run_scoped3A_105 = tpu.sem_alloc : memref<!tpu.dma_semaphore, #tpu.memory_space<semaphore_mem>>
      %dma_start3A = arith.constant 0 : i32
      %dma_start3A_106 = tpu.memref_slice %arg5[%arg0, %add3A_88, %dma_start3A] : memref<2x10240x128xf32, #tpu.memory_space<hbm>> -> memref<1x80x128xf32, #tpu.memory_space<hbm>>
      %dma_start3A_107 = tpu.memref_squeeze %dma_start3A_106 : memref<1x80x128xf32, #tpu.memory_space<hbm>> -> memref<80x128xf32, #tpu.memory_space<hbm>>
      %dma_start3A_108 = arith.constant 0 : i32
      %dma_start3A_109 = tpu.memref_slice %arg6[%add3A_88, %dma_start3A_108] : memref<10240x128xf32, #tpu.memory_space<vmem_shared>> -> memref<80x128xf32, #tpu.memory_space<vmem_shared>>
      tpu.enqueue_dma source(%dma_start3A_109 : memref<80x128xf32, #tpu.memory_space<vmem_shared>>) target(%dma_start3A_107 : memref<80x128xf32, #tpu.memory_space<hbm>>) target_semaphore(%run_scoped3A_105 : memref<!tpu.dma_semaphore, #tpu.memory_space<semaphore_mem>>)
      %dma_wait3A_110 = arith.constant 0 : i32
      %dma_wait3A_111 = tpu.memref_slice %arg5[%arg0, %add3A_88, %dma_wait3A_110] : memref<2x10240x128xf32, #tpu.memory_space<hbm>> -> memref<1x80x128xf32, #tpu.memory_space<hbm>>
      %dma_wait3A_112 = tpu.memref_squeeze %dma_wait3A_111 : memref<1x80x128xf32, #tpu.memory_space<hbm>> -> memref<80x128xf32, #tpu.memory_space<hbm>>
      %dma_wait3A_113 = arith.constant 0 : i32
      %dma_wait3A_114 = tpu.memref_slice %arg6[%add3A_88, %dma_wait3A_113] : memref<10240x128xf32, #tpu.memory_space<vmem_shared>> -> memref<80x128xf32, #tpu.memory_space<vmem_shared>>
      tpu.wait_dma2 semaphore(%run_scoped3A_105 : memref<!tpu.dma_semaphore, #tpu.memory_space<semaphore_mem>>) src(%dma_wait3A_114 : memref<80x128xf32, #tpu.memory_space<vmem_shared>>) dst(%dma_wait3A_112 : memref<80x128xf32, #tpu.memory_space<hbm>>)
      tpu.yield
    }) : () -> ()
    %mul3A_89 = arith.constant 640 : i32
    %mul3A_90 = arith.muli %arg1, %mul3A_89 : i32
    %add3A_91 = arith.constant 320 : i32
    %add3A_92 = arith.addi %mul3A_90, %add3A_91 : i32
    "tpu.region"() ({
      %run_scoped3A_105 = tpu.sem_alloc : memref<!tpu.dma_semaphore, #tpu.memory_space<semaphore_mem>>
      %dma_start3A = arith.constant 0 : i32
      %dma_start3A_106 = tpu.memref_slice %arg5[%arg0, %add3A_92, %dma_start3A] : memref<2x10240x128xf32, #tpu.memory_space<hbm>> -> memref<1x80x128xf32, #tpu.memory_space<hbm>>
      %dma_start3A_107 = tpu.memref_squeeze %dma_start3A_106 : memref<1x80x128xf32, #tpu.memory_space<hbm>> -> memref<80x128xf32, #tpu.memory_space<hbm>>
      %dma_start3A_108 = arith.constant 0 : i32
      %dma_start3A_109 = tpu.memref_slice %arg6[%add3A_92, %dma_start3A_108] : memref<10240x128xf32, #tpu.memory_space<vmem_shared>> -> memref<80x128xf32, #tpu.memory_space<vmem_shared>>
      tpu.enqueue_dma source(%dma_start3A_109 : memref<80x128xf32, #tpu.memory_space<vmem_shared>>) target(%dma_start3A_107 : memref<80x128xf32, #tpu.memory_space<hbm>>) target_semaphore(%run_scoped3A_105 : memref<!tpu.dma_semaphore, #tpu.memory_space<semaphore_mem>>)
      %dma_wait3A_110 = arith.constant 0 : i32
      %dma_wait3A_111 = tpu.memref_slice %arg5[%arg0, %add3A_92, %dma_wait3A_110] : memref<2x10240x128xf32, #tpu.memory_space<hbm>> -> memref<1x80x128xf32, #tpu.memory_space<hbm>>
      %dma_wait3A_112 = tpu.memref_squeeze %dma_wait3A_111 : memref<1x80x128xf32, #tpu.memory_space<hbm>> -> memref<80x128xf32, #tpu.memory_space<hbm>>
      %dma_wait3A_113 = arith.constant 0 : i32
      %dma_wait3A_114 = tpu.memref_slice %arg6[%add3A_92, %dma_wait3A_113] : memref<10240x128xf32, #tpu.memory_space<vmem_shared>> -> memref<80x128xf32, #tpu.memory_space<vmem_shared>>
      tpu.wait_dma2 semaphore(%run_scoped3A_105 : memref<!tpu.dma_semaphore, #tpu.memory_space<semaphore_mem>>) src(%dma_wait3A_114 : memref<80x128xf32, #tpu.memory_space<vmem_shared>>) dst(%dma_wait3A_112 : memref<80x128xf32, #tpu.memory_space<hbm>>)
      tpu.yield
    }) : () -> ()
    %mul3A_93 = arith.constant 640 : i32
    %mul3A_94 = arith.muli %arg1, %mul3A_93 : i32
    %add3A_95 = arith.constant 400 : i32
    %add3A_96 = arith.addi %mul3A_94, %add3A_95 : i32
    "tpu.region"() ({
      %run_scoped3A_105 = tpu.sem_alloc : memref<!tpu.dma_semaphore, #tpu.memory_space<semaphore_mem>>
      %dma_start3A = arith.constant 0 : i32
      %dma_start3A_106 = tpu.memref_slice %arg5[%arg0, %add3A_96, %dma_start3A] : memref<2x10240x128xf32, #tpu.memory_space<hbm>> -> memref<1x80x128xf32, #tpu.memory_space<hbm>>
      %dma_start3A_107 = tpu.memref_squeeze %dma_start3A_106 : memref<1x80x128xf32, #tpu.memory_space<hbm>> -> memref<80x128xf32, #tpu.memory_space<hbm>>
      %dma_start3A_108 = arith.constant 0 : i32
      %dma_start3A_109 = tpu.memref_slice %arg6[%add3A_96, %dma_start3A_108] : memref<10240x128xf32, #tpu.memory_space<vmem_shared>> -> memref<80x128xf32, #tpu.memory_space<vmem_shared>>
      tpu.enqueue_dma source(%dma_start3A_109 : memref<80x128xf32, #tpu.memory_space<vmem_shared>>) target(%dma_start3A_107 : memref<80x128xf32, #tpu.memory_space<hbm>>) target_semaphore(%run_scoped3A_105 : memref<!tpu.dma_semaphore, #tpu.memory_space<semaphore_mem>>)
      %dma_wait3A_110 = arith.constant 0 : i32
      %dma_wait3A_111 = tpu.memref_slice %arg5[%arg0, %add3A_96, %dma_wait3A_110] : memref<2x10240x128xf32, #tpu.memory_space<hbm>> -> memref<1x80x128xf32, #tpu.memory_space<hbm>>
      %dma_wait3A_112 = tpu.memref_squeeze %dma_wait3A_111 : memref<1x80x128xf32, #tpu.memory_space<hbm>> -> memref<80x128xf32, #tpu.memory_space<hbm>>
      %dma_wait3A_113 = arith.constant 0 : i32
      %dma_wait3A_114 = tpu.memref_slice %arg6[%add3A_96, %dma_wait3A_113] : memref<10240x128xf32, #tpu.memory_space<vmem_shared>> -> memref<80x128xf32, #tpu.memory_space<vmem_shared>>
      tpu.wait_dma2 semaphore(%run_scoped3A_105 : memref<!tpu.dma_semaphore, #tpu.memory_space<semaphore_mem>>) src(%dma_wait3A_114 : memref<80x128xf32, #tpu.memory_space<vmem_shared>>) dst(%dma_wait3A_112 : memref<80x128xf32, #tpu.memory_space<hbm>>)
      tpu.yield
    }) : () -> ()
    %mul3A_97 = arith.constant 640 : i32
    %mul3A_98 = arith.muli %arg1, %mul3A_97 : i32
    %add3A_99 = arith.constant 480 : i32
    %add3A_100 = arith.addi %mul3A_98, %add3A_99 : i32
    "tpu.region"() ({
      %run_scoped3A_105 = tpu.sem_alloc : memref<!tpu.dma_semaphore, #tpu.memory_space<semaphore_mem>>
      %dma_start3A = arith.constant 0 : i32
      %dma_start3A_106 = tpu.memref_slice %arg5[%arg0, %add3A_100, %dma_start3A] : memref<2x10240x128xf32, #tpu.memory_space<hbm>> -> memref<1x80x128xf32, #tpu.memory_space<hbm>>
      %dma_start3A_107 = tpu.memref_squeeze %dma_start3A_106 : memref<1x80x128xf32, #tpu.memory_space<hbm>> -> memref<80x128xf32, #tpu.memory_space<hbm>>
      %dma_start3A_108 = arith.constant 0 : i32
      %dma_start3A_109 = tpu.memref_slice %arg6[%add3A_100, %dma_start3A_108] : memref<10240x128xf32, #tpu.memory_space<vmem_shared>> -> memref<80x128xf32, #tpu.memory_space<vmem_shared>>
      tpu.enqueue_dma source(%dma_start3A_109 : memref<80x128xf32, #tpu.memory_space<vmem_shared>>) target(%dma_start3A_107 : memref<80x128xf32, #tpu.memory_space<hbm>>) target_semaphore(%run_scoped3A_105 : memref<!tpu.dma_semaphore, #tpu.memory_space<semaphore_mem>>)
      %dma_wait3A_110 = arith.constant 0 : i32
      %dma_wait3A_111 = tpu.memref_slice %arg5[%arg0, %add3A_100, %dma_wait3A_110] : memref<2x10240x128xf32, #tpu.memory_space<hbm>> -> memref<1x80x128xf32, #tpu.memory_space<hbm>>
      %dma_wait3A_112 = tpu.memref_squeeze %dma_wait3A_111 : memref<1x80x128xf32, #tpu.memory_space<hbm>> -> memref<80x128xf32, #tpu.memory_space<hbm>>
      %dma_wait3A_113 = arith.constant 0 : i32
      %dma_wait3A_114 = tpu.memref_slice %arg6[%add3A_100, %dma_wait3A_113] : memref<10240x128xf32, #tpu.memory_space<vmem_shared>> -> memref<80x128xf32, #tpu.memory_space<vmem_shared>>
      tpu.wait_dma2 semaphore(%run_scoped3A_105 : memref<!tpu.dma_semaphore, #tpu.memory_space<semaphore_mem>>) src(%dma_wait3A_114 : memref<80x128xf32, #tpu.memory_space<vmem_shared>>) dst(%dma_wait3A_112 : memref<80x128xf32, #tpu.memory_space<hbm>>)
      tpu.yield
    }) : () -> ()
    %mul3A_101 = arith.constant 640 : i32
    %mul3A_102 = arith.muli %arg1, %mul3A_101 : i32
    %add3A_103 = arith.constant 560 : i32
    %add3A_104 = arith.addi %mul3A_102, %add3A_103 : i32
    "tpu.region"() ({
      %run_scoped3A_105 = tpu.sem_alloc : memref<!tpu.dma_semaphore, #tpu.memory_space<semaphore_mem>>
      %dma_start3A = arith.constant 0 : i32
      %dma_start3A_106 = tpu.memref_slice %arg5[%arg0, %add3A_104, %dma_start3A] : memref<2x10240x128xf32, #tpu.memory_space<hbm>> -> memref<1x80x128xf32, #tpu.memory_space<hbm>>
      %dma_start3A_107 = tpu.memref_squeeze %dma_start3A_106 : memref<1x80x128xf32, #tpu.memory_space<hbm>> -> memref<80x128xf32, #tpu.memory_space<hbm>>
      %dma_start3A_108 = arith.constant 0 : i32
      %dma_start3A_109 = tpu.memref_slice %arg6[%add3A_104, %dma_start3A_108] : memref<10240x128xf32, #tpu.memory_space<vmem_shared>> -> memref<80x128xf32, #tpu.memory_space<vmem_shared>>
      tpu.enqueue_dma source(%dma_start3A_109 : memref<80x128xf32, #tpu.memory_space<vmem_shared>>) target(%dma_start3A_107 : memref<80x128xf32, #tpu.memory_space<hbm>>) target_semaphore(%run_scoped3A_105 : memref<!tpu.dma_semaphore, #tpu.memory_space<semaphore_mem>>)
      %dma_wait3A_110 = arith.constant 0 : i32
      %dma_wait3A_111 = tpu.memref_slice %arg5[%arg0, %add3A_104, %dma_wait3A_110] : memref<2x10240x128xf32, #tpu.memory_space<hbm>> -> memref<1x80x128xf32, #tpu.memory_space<hbm>>
      %dma_wait3A_112 = tpu.memref_squeeze %dma_wait3A_111 : memref<1x80x128xf32, #tpu.memory_space<hbm>> -> memref<80x128xf32, #tpu.memory_space<hbm>>
      %dma_wait3A_113 = arith.constant 0 : i32
      %dma_wait3A_114 = tpu.memref_slice %arg6[%add3A_104, %dma_wait3A_113] : memref<10240x128xf32, #tpu.memory_space<vmem_shared>> -> memref<80x128xf32, #tpu.memory_space<vmem_shared>>
      tpu.wait_dma2 semaphore(%run_scoped3A_105 : memref<!tpu.dma_semaphore, #tpu.memory_space<semaphore_mem>>) src(%dma_wait3A_114 : memref<80x128xf32, #tpu.memory_space<vmem_shared>>) dst(%dma_wait3A_112 : memref<80x128xf32, #tpu.memory_space<hbm>>)
      tpu.yield
    }) : () -> ()
    return
  }
}

#map = affine_map<(d0, d1) -> (0, 0, 0)>
#map1 = affine_map<(d0, d1) -> (0, 0)>
module attributes {stable_mosaic.version = 14 : i64} {
  func.func @_hist_body(%arg0: i32, %arg1: i32, %arg2: memref<32x125x80xi32, #tpu.memory_space<hbm>>, %arg3: memref<2x10240xi32, #tpu.memory_space<hbm>>, %arg4: memref<10240xi32, #tpu.memory_space<vmem_shared>>, %arg5: memref<125x80xi32, #tpu.memory_space<vmem>>, %arg6: memref<80xi32, #tpu.memory_space<vmem>>, %arg7: memref<640xi32, #tpu.memory_space<vmem>>) attributes {dimension_semantics = [#tpu.dimension_semantics<core_parallel>, #tpu.dimension_semantics<subcore_parallel>], iteration_bounds = array<i64: 2, 16>, scalar_prefetch = 0 : i64, scratch_operands = 4 : i64, tpu.core_type = #tpu.core_type<sc_vector_subcore>, window_params = [{transform_indices = #map}, {transform_indices = #map1}]} {
    %mul3A = arith.constant 2 : i32
    %mul3A_0 = arith.muli %arg1, %mul3A : i32
    %add3A = arith.addi %mul3A_0, %arg0 : i32
    %scan3A = arith.constant 0 : i32
    %scan3A_1 = arith.constant 0 : i32
    %scan3A_2 = arith.constant 40 : i32
    %scan3A_3 = arith.addi %scan3A_1, %scan3A_2 : i32
    %scan3A_4 = arith.constant 1 : i32
    scf.for %scan3A_25 = %scan3A_1 to %scan3A_3 step %scan3A_4  : i32 {
      %broadcast_in_dim3A = arith.constant 0 : i32
      %broadcast_in_dim3A_26 = vector.broadcast %broadcast_in_dim3A : i32 to vector<16xi32>
      %mul3A_27 = arith.constant 16 : i32
      %mul3A_28 = arith.muli %scan3A_25, %mul3A_27 : i32
      %swap3A = arith.index_cast %mul3A_28 : i32 to index
      %swap3A_29 = tpu.vector_load %arg7[%swap3A] {strides = array<i32>} : memref<640xi32, #tpu.memory_space<vmem>>, vector<16xi32>,
      %swap3A_30 = vector.shape_cast %swap3A_29 : vector<16xi32> to vector<16xi32>
      %swap3A_31 = vector.shape_cast %broadcast_in_dim3A_26 : vector<16xi32> to vector<16xi32>
      tpu.vector_store %arg7[%swap3A], %swap3A_31 {strides = array<i32>} : memref<640xi32, #tpu.memory_space<vmem>>, vector<16xi32>,
    }
    %scan3A_5 = arith.constant 40 : i32
    %scan3A_6 = arith.constant 0 : i32
    %scan3A_7 = arith.constant 0 : i32
    %scan3A_8 = arith.constant 5 : i32
    %scan3A_9 = arith.addi %scan3A_7, %scan3A_8 : i32
    %scan3A_10 = arith.constant 1 : i32
    scf.for %scan3A_25 = %scan3A_7 to %scan3A_9 step %scan3A_10  : i32 {
      %broadcast_in_dim3A = arith.constant 1 : i32
      %broadcast_in_dim3A_26 = vector.broadcast %broadcast_in_dim3A : i32 to vector<16xi32>
      %mul3A_27 = arith.constant 16 : i32
      %mul3A_28 = arith.muli %scan3A_25, %mul3A_27 : i32
      %swap3A = arith.index_cast %mul3A_28 : i32 to index
      %swap3A_29 = tpu.vector_load %arg6[%swap3A] {strides = array<i32>} : memref<80xi32, #tpu.memory_space<vmem>>, vector<16xi32>,
      %swap3A_30 = vector.shape_cast %swap3A_29 : vector<16xi32> to vector<16xi32>
      %swap3A_31 = vector.shape_cast %broadcast_in_dim3A_26 : vector<16xi32> to vector<16xi32>
      tpu.vector_store %arg6[%swap3A], %swap3A_31 {strides = array<i32>} : memref<80xi32, #tpu.memory_space<vmem>>, vector<16xi32>,
    }
    %scan3A_11 = arith.constant 5 : i32
    %mul3A_12 = arith.constant 640 : i32
    %mul3A_13 = arith.muli %arg1, %mul3A_12 : i32
    "tpu.region"() ({
      %run_scoped3A = tpu.sem_alloc : memref<!tpu.dma_semaphore, #tpu.memory_space<semaphore_mem>>
      %dma_start3A = tpu.memref_slice %arg4[%mul3A_13] : memref<10240xi32, #tpu.memory_space<vmem_shared>> -> memref<640xi32, #tpu.memory_space<vmem_shared>>
      %dma_start3A_25 = tpu.memref_slice %arg4[%mul3A_13] : memref<10240xi32, #tpu.memory_space<vmem_shared>> -> memref<640xi32, #tpu.memory_space<vmem_shared>>
      tpu.enqueue_dma source(%arg7 : memref<640xi32, #tpu.memory_space<vmem>>) target(%dma_start3A_25 : memref<640xi32, #tpu.memory_space<vmem_shared>>) target_semaphore(%run_scoped3A : memref<!tpu.dma_semaphore, #tpu.memory_space<semaphore_mem>>)
      %dma_wait3A = tpu.memref_slice %arg4[%mul3A_13] : memref<10240xi32, #tpu.memory_space<vmem_shared>> -> memref<640xi32, #tpu.memory_space<vmem_shared>>
      %dma_wait3A_26 = tpu.memref_slice %arg4[%mul3A_13] : memref<10240xi32, #tpu.memory_space<vmem_shared>> -> memref<640xi32, #tpu.memory_space<vmem_shared>>
      tpu.wait_dma2 semaphore(%run_scoped3A : memref<!tpu.dma_semaphore, #tpu.memory_space<semaphore_mem>>) src(%arg7 : memref<640xi32, #tpu.memory_space<vmem>>) dst(%dma_wait3A_26 : memref<640xi32, #tpu.memory_space<vmem_shared>>)
      tpu.yield
    }) : () -> ()
    %barrier3A = arith.constant 0 : index
    tpu.barrier barrier_id(%barrier3A)
    "tpu.region"() ({
      %run_scoped3A = tpu.sem_alloc : memref<!tpu.dma_semaphore, #tpu.memory_space<semaphore_mem>>
      %dma_start3A = arith.constant 0 : i32
      %dma_start3A_25 = arith.constant 0 : i32
      %dma_start3A_26 = tpu.memref_slice %arg2[%add3A, %dma_start3A, %dma_start3A_25] : memref<32x125x80xi32, #tpu.memory_space<hbm>> -> memref<1x125x80xi32, #tpu.memory_space<hbm>>
      %dma_start3A_27 = tpu.memref_squeeze %dma_start3A_26 : memref<1x125x80xi32, #tpu.memory_space<hbm>> -> memref<125x80xi32, #tpu.memory_space<hbm>>
      %dma_start3A_28 = arith.constant 0 : i32
      %dma_start3A_29 = arith.constant 0 : i32
      %dma_start3A_30 = tpu.memref_slice %arg2[%add3A, %dma_start3A_28, %dma_start3A_29] : memref<32x125x80xi32, #tpu.memory_space<hbm>> -> memref<1x125x80xi32, #tpu.memory_space<hbm>>
      %dma_start3A_31 = tpu.memref_squeeze %dma_start3A_30 : memref<1x125x80xi32, #tpu.memory_space<hbm>> -> memref<125x80xi32, #tpu.memory_space<hbm>>
      tpu.enqueue_dma source(%dma_start3A_31 : memref<125x80xi32, #tpu.memory_space<hbm>>) target(%arg5 : memref<125x80xi32, #tpu.memory_space<vmem>>) target_semaphore(%run_scoped3A : memref<!tpu.dma_semaphore, #tpu.memory_space<semaphore_mem>>)
      %dma_wait3A = arith.constant 0 : i32
      %dma_wait3A_32 = arith.constant 0 : i32
      %dma_wait3A_33 = tpu.memref_slice %arg2[%add3A, %dma_wait3A, %dma_wait3A_32] : memref<32x125x80xi32, #tpu.memory_space<hbm>> -> memref<1x125x80xi32, #tpu.memory_space<hbm>>
      %dma_wait3A_34 = tpu.memref_squeeze %dma_wait3A_33 : memref<1x125x80xi32, #tpu.memory_space<hbm>> -> memref<125x80xi32, #tpu.memory_space<hbm>>
      %dma_wait3A_35 = arith.constant 0 : i32
      %dma_wait3A_36 = arith.constant 0 : i32
      %dma_wait3A_37 = tpu.memref_slice %arg2[%add3A, %dma_wait3A_35, %dma_wait3A_36] : memref<32x125x80xi32, #tpu.memory_space<hbm>> -> memref<1x125x80xi32, #tpu.memory_space<hbm>>
      %dma_wait3A_38 = tpu.memref_squeeze %dma_wait3A_37 : memref<1x125x80xi32, #tpu.memory_space<hbm>> -> memref<125x80xi32, #tpu.memory_space<hbm>>
      tpu.wait_dma2 semaphore(%run_scoped3A : memref<!tpu.dma_semaphore, #tpu.memory_space<semaphore_mem>>) src(%dma_wait3A_38 : memref<125x80xi32, #tpu.memory_space<hbm>>) dst(%arg5 : memref<125x80xi32, #tpu.memory_space<vmem>>)
      tpu.yield
    }) : () -> ()
    %scan3A_14 = arith.constant 0 : i32
    %scan3A_15 = arith.constant 0 : i32
    %scan3A_16 = arith.constant 125 : i32
    %scan3A_17 = arith.addi %scan3A_15, %scan3A_16 : i32
    %scan3A_18 = arith.constant 1 : i32
    scf.for %scan3A_25 = %scan3A_15 to %scan3A_17 step %scan3A_18  : i32 {
      "tpu.region"() ({
        %run_scoped3A = tpu.sem_alloc : memref<!tpu.dma_semaphore, #tpu.memory_space<semaphore_mem>>
        %dma_start3A = arith.constant 0 : i32
        %dma_start3A_26 = tpu.memref_slice %arg5[%scan3A_25, %dma_start3A] : memref<125x80xi32, #tpu.memory_space<vmem>> -> memref<1x80xi32, #tpu.memory_space<vmem>>
        %dma_start3A_27 = tpu.memref_squeeze %dma_start3A_26 : memref<1x80xi32, #tpu.memory_space<vmem>> -> memref<80xi32, #tpu.memory_space<vmem>>
        %dma_start3A_28 = arith.constant 0 : i32
        %dma_start3A_29 = tpu.memref_slice %arg4[%dma_start3A_28] : memref<10240xi32, #tpu.memory_space<vmem_shared>> -> memref<10240xi32, #tpu.memory_space<vmem_shared>>
        tpu.enqueue_indirect_dma source(%arg6 : memref<80xi32, #tpu.memory_space<vmem>>) target(%dma_start3A_29 : memref<10240xi32, #tpu.memory_space<vmem_shared>>) offsets(%dma_start3A_27 : memref<80xi32, #tpu.memory_space<vmem>>) semaphore(%run_scoped3A : memref<!tpu.dma_semaphore, #tpu.memory_space<semaphore_mem>>) {add = true}
        %dma_wait3A = arith.constant 0 : i32
        %dma_wait3A_30 = tpu.memref_slice %arg5[%scan3A_25, %dma_wait3A] : memref<125x80xi32, #tpu.memory_space<vmem>> -> memref<1x80xi32, #tpu.memory_space<vmem>>
        %dma_wait3A_31 = tpu.memref_squeeze %dma_wait3A_30 : memref<1x80xi32, #tpu.memory_space<vmem>> -> memref<80xi32, #tpu.memory_space<vmem>>
        %dma_wait3A_32 = arith.constant 0 : i32
        %dma_wait3A_33 = tpu.memref_slice %arg4[%dma_wait3A_32] : memref<10240xi32, #tpu.memory_space<vmem_shared>> -> memref<10240xi32, #tpu.memory_space<vmem_shared>>
        tpu.wait_indirect_dma semaphore(%run_scoped3A : memref<!tpu.dma_semaphore, #tpu.memory_space<semaphore_mem>>) src(%arg6 : memref<80xi32, #tpu.memory_space<vmem>>) dst(%dma_wait3A_33 : memref<10240xi32, #tpu.memory_space<vmem_shared>>)
        tpu.yield
      }) : () -> ()
    }
    %scan3A_19 = arith.constant 125 : i32
    %barrier3A_20 = arith.constant 0 : index
    tpu.barrier barrier_id(%barrier3A_20)
    %mul3A_21 = arith.constant 640 : i32
    %mul3A_22 = arith.muli %arg1, %mul3A_21 : i32
    %mul3A_23 = arith.constant 640 : i32
    %mul3A_24 = arith.muli %arg1, %mul3A_23 : i32
    "tpu.region"() ({
      %run_scoped3A = tpu.sem_alloc : memref<!tpu.dma_semaphore, #tpu.memory_space<semaphore_mem>>
      %dma_start3A = tpu.memref_slice %arg3[%arg0, %mul3A_24] : memref<2x10240xi32, #tpu.memory_space<hbm>> -> memref<1x640xi32, #tpu.memory_space<hbm>>
      %dma_start3A_25 = tpu.memref_squeeze %dma_start3A : memref<1x640xi32, #tpu.memory_space<hbm>> -> memref<640xi32, #tpu.memory_space<hbm>>
      %dma_start3A_26 = tpu.memref_slice %arg4[%mul3A_22] : memref<10240xi32, #tpu.memory_space<vmem_shared>> -> memref<640xi32, #tpu.memory_space<vmem_shared>>
      tpu.enqueue_dma source(%dma_start3A_26 : memref<640xi32, #tpu.memory_space<vmem_shared>>) target(%dma_start3A_25 : memref<640xi32, #tpu.memory_space<hbm>>) target_semaphore(%run_scoped3A : memref<!tpu.dma_semaphore, #tpu.memory_space<semaphore_mem>>)
      %dma_wait3A = tpu.memref_slice %arg3[%arg0, %mul3A_24] : memref<2x10240xi32, #tpu.memory_space<hbm>> -> memref<1x640xi32, #tpu.memory_space<hbm>>
      %dma_wait3A_27 = tpu.memref_squeeze %dma_wait3A : memref<1x640xi32, #tpu.memory_space<hbm>> -> memref<640xi32, #tpu.memory_space<hbm>>
      %dma_wait3A_28 = tpu.memref_slice %arg4[%mul3A_22] : memref<10240xi32, #tpu.memory_space<vmem_shared>> -> memref<640xi32, #tpu.memory_space<vmem_shared>>
      tpu.wait_dma2 semaphore(%run_scoped3A : memref<!tpu.dma_semaphore, #tpu.memory_space<semaphore_mem>>) src(%dma_wait3A_28 : memref<640xi32, #tpu.memory_space<vmem_shared>>) dst(%dma_wait3A_27 : memref<640xi32, #tpu.memory_space<hbm>>)
      tpu.yield
    }) : () -> ()
    return
  }
}

module attributes {stable_mosaic.version = 14 : i64} {
  func.func @_pred_body(%arg0: i32, %arg1: memref<10000x128xf32, #tpu.memory_space<vmem>>, %arg2: memref<10000x128xf32, #tpu.memory_space<vmem>>, %arg3: memref<128x128xf32, #tpu.memory_space<vmem>>, %arg4: memref<1x128xf32, #tpu.memory_space<vmem>>, %arg5: memref<10000x128xf32, #tpu.memory_space<vmem>>) attributes {dimension_semantics = [#tpu.dimension_semantics<arbitrary>], iteration_bounds = array<i64: 32>, scalar_prefetch = 0 : i64, scratch_operands = 0 : i64, tpu.core_type = #tpu.core_type<tc>, window_params = [{transform_indices = @transform_0, window_bounds = array<i64: 10000, 128>}, {transform_indices = @transform_1, window_bounds = array<i64: 10000, 128>}, {pipeline_mode = #tpu.pipeline_mode<synchronous>, transform_indices = @transform_2, window_bounds = array<i64: 128, 128>}, {pipeline_mode = #tpu.pipeline_mode<synchronous>, transform_indices = @transform_3, window_bounds = array<i64: 1, 128>}, {transform_indices = @transform_4, window_bounds = array<i64: 10000, 128>}]} {
    %lt3A = arith.constant 31 : i32
    %lt3A_0 = arith.cmpi slt, %arg0, %lt3A : i32
    %jit3A = arith.constant 5.000000e-01 : f32
    %jit3A_1 = arith.constant 1.000000e+00 : f32
    %select_n3A = arith.select %lt3A_0, %jit3A, %jit3A_1 : f32
    %lt3A_2 = arith.constant 31 : i32
    %lt3A_3 = arith.cmpi slt, %arg0, %lt3A_2 : i32
    %jit3A_4 = arith.constant 0.707106769 : f32
    %jit3A_5 = arith.constant 0.000000e+00 : f32
    %select_n3A_6 = arith.select %lt3A_3, %jit3A_4, %jit3A_5 : f32
    %get3A = arith.constant 0 : index
    %get3A_7 = arith.constant 0 : index
    %get3A_8 = vector.load %arg1[%get3A, %get3A_7] : memref<10000x128xf32, #tpu.memory_space<vmem>>, vector<10000x128xf32>
    %mul3A = vector.broadcast %select_n3A : f32 to vector<10000x128xf32>
    %mul3A_9 = arith.mulf %get3A_8, %mul3A : vector<10000x128xf32>
    %get3A_10 = arith.constant 0 : index
    %get3A_11 = arith.constant 0 : index
    %get3A_12 = vector.load %arg2[%get3A_10, %get3A_11] : memref<10000x128xf32, #tpu.memory_space<vmem>>, vector<10000x128xf32>
    %mul3A_13 = vector.broadcast %select_n3A_6 : f32 to vector<10000x128xf32>
    %mul3A_14 = arith.mulf %get3A_12, %mul3A_13 : vector<10000x128xf32>
    %add3A = arith.addf %mul3A_9, %mul3A_14 : vector<10000x128xf32>
    %get3A_15 = arith.constant 0 : index
    %get3A_16 = arith.constant 0 : index
    %get3A_17 = vector.load %arg3[%get3A_15, %get3A_16] : memref<128x128xf32, #tpu.memory_space<vmem>>, vector<128x128xf32>
    %dot_general3A = arith.constant dense<0.000000e+00> : vector<10000x128xf32>
    %dot_general3A_18 = tpu.matmul %add3A, %get3A_17, %dot_general3A {dimension_numbers = #tpu.dot_dimension_numbers<[1], [1], [0], [0], [0, 0, 1, 0], [], []>, transpose_lhs_hint = false} : vector<10000x128xf32>, vector<128x128xf32>, vector<10000x128xf32> -> vector<10000x128xf32>
    %get3A_19 = arith.constant 0 : index
    %get3A_20 = arith.constant 0 : index
    %get3A_21 = vector.load %arg4[%get3A_19, %get3A_20] : memref<1x128xf32, #tpu.memory_space<vmem>>, vector<1x128xf32>
    %add3A_22 = vector.broadcast %get3A_21 : vector<1x128xf32> to vector<10000x128xf32>
    %add3A_23 = arith.addf %dot_general3A_18, %add3A_22 : vector<10000x128xf32>
    %swap3A = arith.constant 0 : index
    %swap3A_24 = arith.constant 0 : index
    %swap3A_25 = vector.load %arg5[%swap3A, %swap3A_24] : memref<10000x128xf32, #tpu.memory_space<vmem>>, vector<10000x128xf32>
    tpu.vector_store %arg5[%swap3A, %swap3A_24], %add3A_23 {strides = array<i32>} : memref<10000x128xf32, #tpu.memory_space<vmem>>, vector<10000x128xf32>,
    return
  }
  func.func @transform_0(%arg0: i32) -> (i32, i32) {
    %c0_i32 = arith.constant 0 : i32
    %c0_i32_0 = arith.constant 0 : i32
    return %arg0, %c0_i32 : i32, i32
  }
  func.func @transform_1(%arg0: i32) -> (i32, i32) {
    %add3A = arith.constant 1 : i32
    %add3A_0 = arith.addi %arg0, %add3A : i32
    %min3A = arith.constant 31 : i32
    %min3A_1 = arith.minsi %add3A_0, %min3A : i32
    %c0_i32 = arith.constant 0 : i32
    %c0_i32_2 = arith.constant 0 : i32
    return %min3A_1, %c0_i32 : i32, i32
  }
  func.func @transform_2(%arg0: i32) -> (i32, i32) {
    %c0_i32 = arith.constant 0 : i32
    %c0_i32_0 = arith.constant 0 : i32
    %c0_i32_1 = arith.constant 0 : i32
    return %c0_i32, %c0_i32_0 : i32, i32
  }
  func.func @transform_3(%arg0: i32) -> (i32, i32) {
    %c0_i32 = arith.constant 0 : i32
    %c0_i32_0 = arith.constant 0 : i32
    %c0_i32_1 = arith.constant 0 : i32
    return %c0_i32, %c0_i32_0 : i32, i32
  }
  func.func @transform_4(%arg0: i32) -> (i32, i32) {
    %c0_i32 = arith.constant 0 : i32
    %c0_i32_0 = arith.constant 0 : i32
    return %arg0, %c0_i32 : i32, i32
  }
}

module attributes {stable_mosaic.version = 14 : i64} {
  func.func @_prep_body(%arg0: i32, %arg1: memref<2x2048xi32, #tpu.memory_space<vmem>>, %arg2: memref<2048x128xf32, #tpu.memory_space<vmem>>, %arg3: memref<2048x128xf32, #tpu.memory_space<vmem>>, %arg4: memref<2048x128xf32, #tpu.memory_space<vmem>>, %arg5: memref<2048x1xf32, #tpu.memory_space<vmem>>, %arg6: memref<2048x1xf32, #tpu.memory_space<vmem>>) attributes {dimension_semantics = [#tpu.dimension_semantics<arbitrary>], iteration_bounds = array<i64: 5>, scalar_prefetch = 0 : i64, scratch_operands = 0 : i64, tpu.core_type = #tpu.core_type<tc>, window_params = [{transform_indices = @transform_0, window_bounds = array<i64: 2, 2048>}, {transform_indices = @transform_1, window_bounds = array<i64: 2048, 128>}, {transform_indices = @transform_2, window_bounds = array<i64: 2048, 128>}, {transform_indices = @transform_3, window_bounds = array<i64: 2048, 128>}, {transform_indices = @transform_4, window_bounds = array<i64: 2048, 1>}, {transform_indices = @transform_5, window_bounds = array<i64: 2048, 1>}]} {
    %get3A = arith.constant 0 : index
    %get3A_0 = arith.constant 0 : index
    %get3A_1 = vector.load %arg1[%get3A, %get3A_0] : memref<2x2048xi32, #tpu.memory_space<vmem>>, vector<2x2048xi32>
    %convert_element_type3A = arith.sitofp %get3A_1 : vector<2x2048xi32> to vector<2x2048xf32>
    %broadcast_in_dim3A = arith.constant 1.000000e+00 : f32
    %broadcast_in_dim3A_2 = vector.broadcast %broadcast_in_dim3A : f32 to vector<2x1xf32>
    %dot_general3A = arith.constant dense<0.000000e+00> : vector<2048x1xf32>
    %dot_general3A_3 = tpu.matmul %convert_element_type3A, %broadcast_in_dim3A_2, %dot_general3A {dimension_numbers = #tpu.dot_dimension_numbers<[0], [0], [1], [1], [0, 1, 1, 1], [], []>, transpose_lhs_hint = false} : vector<2x2048xf32>, vector<2x1xf32>, vector<2048x1xf32> -> vector<2048x1xf32>
    %add3A = arith.constant 2.000000e+00 : f32
    %add3A_4 = vector.broadcast %add3A : f32 to vector<2048x1xf32>
    %add3A_5 = arith.addf %dot_general3A_3, %add3A_4 : vector<2048x1xf32>
    %rsqrt3A = math.rsqrt %add3A_5 : vector<2048x1xf32>
    %swap3A = arith.constant 0 : index
    %swap3A_6 = arith.constant 0 : index
    %swap3A_7 = vector.load %arg5[%swap3A, %swap3A_6] : memref<2048x1xf32, #tpu.memory_space<vmem>>, vector<2048x1xf32>
    tpu.vector_store %arg5[%swap3A, %swap3A_6], %rsqrt3A {strides = array<i32>} : memref<2048x1xf32, #tpu.memory_space<vmem>>, vector<2048x1xf32>,
    %div3A = arith.constant 1.000000e+00 : f32
    %div3A_8 = vector.broadcast %div3A : f32 to vector<2048x1xf32>
    %div3A_9 = arith.divf %div3A_8, %add3A_5 : vector<2048x1xf32>
    %swap3A_10 = arith.constant 0 : index
    %swap3A_11 = arith.constant 0 : index
    %swap3A_12 = vector.load %arg6[%swap3A_10, %swap3A_11] : memref<2048x1xf32, #tpu.memory_space<vmem>>, vector<2048x1xf32>
    tpu.vector_store %arg6[%swap3A_10, %swap3A_11], %div3A_9 {strides = array<i32>} : memref<2048x1xf32, #tpu.memory_space<vmem>>, vector<2048x1xf32>,
    %get3A_13 = arith.constant 0 : index
    %get3A_14 = arith.constant 0 : index
    %get3A_15 = vector.load %arg2[%get3A_13, %get3A_14] : memref<2048x128xf32, #tpu.memory_space<vmem>>, vector<2048x128xf32>
    %mul3A = vector.broadcast %rsqrt3A : vector<2048x1xf32> to vector<2048x128xf32>
    %mul3A_16 = arith.mulf %get3A_15, %mul3A : vector<2048x128xf32>
    %swap3A_17 = arith.constant 0 : index
    %swap3A_18 = arith.constant 0 : index
    %swap3A_19 = vector.load %arg3[%swap3A_17, %swap3A_18] : memref<2048x128xf32, #tpu.memory_space<vmem>>, vector<2048x128xf32>
    tpu.vector_store %arg3[%swap3A_17, %swap3A_18], %mul3A_16 {strides = array<i32>} : memref<2048x128xf32, #tpu.memory_space<vmem>>, vector<2048x128xf32>,
    %mul3A_20 = arith.constant 1.41421354 : f32
    %mul3A_21 = vector.broadcast %mul3A_20 : f32 to vector<2048x128xf32>
    %mul3A_22 = arith.mulf %mul3A_16, %mul3A_21 : vector<2048x128xf32>
    %swap3A_23 = arith.constant 0 : index
    %swap3A_24 = arith.constant 0 : index
    %swap3A_25 = vector.load %arg4[%swap3A_23, %swap3A_24] : memref<2048x128xf32, #tpu.memory_space<vmem>>, vector<2048x128xf32>
    tpu.vector_store %arg4[%swap3A_23, %swap3A_24], %mul3A_22 {strides = array<i32>} : memref<2048x128xf32, #tpu.memory_space<vmem>>, vector<2048x128xf32>,
    return
  }
  func.func @transform_0(%arg0: i32) -> (i32, i32) {
    %c0_i32 = arith.constant 0 : i32
    %c0_i32_0 = arith.constant 0 : i32
    return %c0_i32, %arg0 : i32, i32
  }
  func.func @transform_1(%arg0: i32) -> (i32, i32) {
    %c0_i32 = arith.constant 0 : i32
    %c0_i32_0 = arith.constant 0 : i32
    return %arg0, %c0_i32 : i32, i32
  }
  func.func @transform_2(%arg0: i32) -> (i32, i32) {
    %c0_i32 = arith.constant 0 : i32
    %c0_i32_0 = arith.constant 0 : i32
    return %arg0, %c0_i32 : i32, i32
  }
  func.func @transform_3(%arg0: i32) -> (i32, i32) {
    %c0_i32 = arith.constant 0 : i32
    %c0_i32_0 = arith.constant 0 : i32
    return %arg0, %c0_i32 : i32, i32
  }
  func.func @transform_4(%arg0: i32) -> (i32, i32) {
    %c0_i32 = arith.constant 0 : i32
    %c0_i32_0 = arith.constant 0 : i32
    return %arg0, %c0_i32 : i32, i32
  }
  func.func @transform_5(%arg0: i32) -> (i32, i32) {
    %c0_i32 = arith.constant 0 : i32
    %c0_i32_0 = arith.constant 0 : i32
    return %arg0, %c0_i32 : i32, i32
  }
}

module attributes {stable_mosaic.version = 14 : i64} {
  func.func @_obj_body(%arg0: i32, %arg1: memref<10000x128xf32, #tpu.memory_space<vmem>>, %arg2: memref<10000x128xf32, #tpu.memory_space<vmem>>, %arg3: memref<2x10000x128xf32, #tpu.memory_space<vmem>>, %arg4: memref<10000x1xf32, #tpu.memory_space<vmem>>, %arg5: memref<10000x1xf32, #tpu.memory_space<vmem>>, %arg6: memref<128x128xf32, #tpu.memory_space<vmem>>, %arg7: memref<1x128xf32, #tpu.memory_space<vmem>>, %arg8: memref<10000x128xf32, #tpu.memory_space<vmem>>) attributes {dimension_semantics = [#tpu.dimension_semantics<arbitrary>], iteration_bounds = array<i64: 1>, scalar_prefetch = 0 : i64, scratch_operands = 0 : i64, tpu.core_type = #tpu.core_type<tc>, window_params = [{transform_indices = @transform_0, window_bounds = array<i64: 10000, 128>}, {transform_indices = @transform_1, window_bounds = array<i64: 10000, 128>}, {transform_indices = @transform_2, window_bounds = array<i64: 2, 10000, 128>}, {transform_indices = @transform_3, window_bounds = array<i64: 10000, 1>}, {transform_indices = @transform_4, window_bounds = array<i64: 10000, 1>}, {pipeline_mode = #tpu.pipeline_mode<synchronous>, transform_indices = @transform_5, window_bounds = array<i64: 128, 128>}, {pipeline_mode = #tpu.pipeline_mode<synchronous>, transform_indices = @transform_6, window_bounds = array<i64: 1, 128>}, {transform_indices = @transform_7, window_bounds = array<i64: 10000, 128>}]} {
    %get3A = arith.constant 0 : index
    %get3A_0 = arith.constant 0 : index
    %get3A_1 = arith.constant 0 : index
    %get3A_2 = vector.load %arg3[%get3A, %get3A_0, %get3A_1] : memref<2x10000x128xf32, #tpu.memory_space<vmem>>, vector<2x10000x128xf32>
    %get3A_3 = arith.constant 0 : index
    %get3A_4 = arith.constant 0 : index
    %get3A_5 = vector.load %arg4[%get3A_3, %get3A_4] : memref<10000x1xf32, #tpu.memory_space<vmem>>, vector<10000x1xf32>
    %get3A_6 = arith.constant 0 : index
    %get3A_7 = arith.constant 0 : index
    %get3A_8 = vector.load %arg1[%get3A_6, %get3A_7] : memref<10000x128xf32, #tpu.memory_space<vmem>>, vector<10000x128xf32>
    %get3A_9 = arith.constant 0 : index
    %get3A_10 = arith.constant 0 : index
    %get3A_11 = vector.load %arg5[%get3A_9, %get3A_10] : memref<10000x1xf32, #tpu.memory_space<vmem>>, vector<10000x1xf32>
    %mul3A = vector.broadcast %get3A_11 : vector<10000x1xf32> to vector<10000x128xf32>
    %mul3A_12 = arith.mulf %get3A_8, %mul3A : vector<10000x128xf32>
    %get3A_13 = arith.constant 0 : index
    %get3A_14 = arith.constant 0 : index
    %get3A_15 = vector.load %arg2[%get3A_13, %get3A_14] : memref<10000x128xf32, #tpu.memory_space<vmem>>, vector<10000x128xf32>
    %mul3A_16 = vector.broadcast %get3A_5 : vector<10000x1xf32> to vector<10000x128xf32>
    %mul3A_17 = arith.mulf %get3A_15, %mul3A_16 : vector<10000x128xf32>
    %add3A = arith.addf %mul3A_12, %mul3A_17 : vector<10000x128xf32>
    %slice3A = vector.extract_strided_slice %get3A_2 {offsets = [0, 0, 0], sizes = [1, 10000, 128], strides = [1, 1, 1]} : vector<2x10000x128xf32> to vector<1x10000x128xf32>
    %squeeze3A = vector.shape_cast %slice3A : vector<1x10000x128xf32> to vector<10000x128xf32>
    %slice3A_18 = vector.extract_strided_slice %get3A_2 {offsets = [1, 0, 0], sizes = [1, 10000, 128], strides = [1, 1, 1]} : vector<2x10000x128xf32> to vector<1x10000x128xf32>
    %squeeze3A_19 = vector.shape_cast %slice3A_18 : vector<1x10000x128xf32> to vector<10000x128xf32>
    %add3A_20 = arith.addf %squeeze3A, %squeeze3A_19 : vector<10000x128xf32>
    %mul3A_21 = arith.constant 0.707106769 : f32
    %mul3A_22 = vector.broadcast %mul3A_21 : f32 to vector<10000x1xf32>
    %mul3A_23 = arith.mulf %get3A_5, %mul3A_22 : vector<10000x1xf32>
    %mul3A_24 = vector.broadcast %mul3A_23 : vector<10000x1xf32> to vector<10000x128xf32>
    %mul3A_25 = arith.mulf %add3A_20, %mul3A_24 : vector<10000x128xf32>
    %add3A_26 = arith.addf %add3A, %mul3A_25 : vector<10000x128xf32>
    %get3A_27 = arith.constant 0 : index
    %get3A_28 = arith.constant 0 : index
    %get3A_29 = vector.load %arg6[%get3A_27, %get3A_28] : memref<128x128xf32, #tpu.memory_space<vmem>>, vector<128x128xf32>
    %dot_general3A = arith.constant dense<0.000000e+00> : vector<10000x128xf32>
    %dot_general3A_30 = tpu.matmul %add3A_26, %get3A_29, %dot_general3A {dimension_numbers = #tpu.dot_dimension_numbers<[1], [1], [0], [0], [0, 0, 1, 0], [], []>, transpose_lhs_hint = false} : vector<10000x128xf32>, vector<128x128xf32>, vector<10000x128xf32> -> vector<10000x128xf32>
    %get3A_31 = arith.constant 0 : index
    %get3A_32 = arith.constant 0 : index
    %get3A_33 = vector.load %arg7[%get3A_31, %get3A_32] : memref<1x128xf32, #tpu.memory_space<vmem>>, vector<1x128xf32>
    %add3A_34 = vector.broadcast %get3A_33 : vector<1x128xf32> to vector<10000x128xf32>
    %add3A_35 = arith.addf %dot_general3A_30, %add3A_34 : vector<10000x128xf32>
    %swap3A = arith.constant 0 : index
    %swap3A_36 = arith.constant 0 : index
    %swap3A_37 = vector.load %arg8[%swap3A, %swap3A_36] : memref<10000x128xf32, #tpu.memory_space<vmem>>, vector<10000x128xf32>
    tpu.vector_store %arg8[%swap3A, %swap3A_36], %add3A_35 {strides = array<i32>} : memref<10000x128xf32, #tpu.memory_space<vmem>>, vector<10000x128xf32>,
    return
  }
  func.func @transform_0(%arg0: i32) -> (i32, i32) {
    %c0_i32 = arith.constant 0 : i32
    %c0_i32_0 = arith.constant 0 : i32
    return %arg0, %c0_i32 : i32, i32
  }
  func.func @transform_1(%arg0: i32) -> (i32, i32) {
    %c0_i32 = arith.constant 0 : i32
    %c0_i32_0 = arith.constant 0 : i32
    return %arg0, %c0_i32 : i32, i32
  }
  func.func @transform_2(%arg0: i32) -> (i32, i32, i32) {
    %c0_i32 = arith.constant 0 : i32
    %c0_i32_0 = arith.constant 0 : i32
    %c0_i32_1 = arith.constant 0 : i32
    return %c0_i32, %arg0, %c0_i32_0 : i32, i32, i32
  }
  func.func @transform_3(%arg0: i32) -> (i32, i32) {
    %c0_i32 = arith.constant 0 : i32
    %c0_i32_0 = arith.constant 0 : i32
    return %arg0, %c0_i32 : i32, i32
  }
  func.func @transform_4(%arg0: i32) -> (i32, i32) {
    %c0_i32 = arith.constant 0 : i32
    %c0_i32_0 = arith.constant 0 : i32
    return %arg0, %c0_i32 : i32, i32
  }
  func.func @transform_5(%arg0: i32) -> (i32, i32) {
    %c0_i32 = arith.constant 0 : i32
    %c0_i32_0 = arith.constant 0 : i32
    %c0_i32_1 = arith.constant 0 : i32
    return %c0_i32, %c0_i32_0 : i32, i32
  }
  func.func @transform_6(%arg0: i32) -> (i32, i32) {
    %c0_i32 = arith.constant 0 : i32
    %c0_i32_0 = arith.constant 0 : i32
    %c0_i32_1 = arith.constant 0 : i32
    return %c0_i32, %c0_i32_0 : i32, i32
  }
  func.func @transform_7(%arg0: i32) -> (i32, i32) {
    %c0_i32 = arith.constant 0 : i32
    %c0_i32_0 = arith.constant 0 : i32
    return %arg0, %c0_i32 : i32, i32
  }
}

</mosaic_0001>

<sc_bundles>
// kernel: kernel.11.cloned.1.call-start
scs
__scs_entry_jumppad:
0x0: {  	(pc) =	sbr.rel $0x88, $3  }
0x1: {  	(tag) =	ssettag $0x0;
	lr =	simm.s32 $0x1  }
0x2: {  	[smem:$0x3F9C] =	sst lr;
	_ =	strace $0xD0000000  }
0x3: {  	_ = 	snop  }
0x4: {  	_ = 	snop  }
0x5: {  	_ = 	snop  }
0x6: {  	_ = 	snop  }
0x7: {  	_ = 	snop  }
__scs_overlays_trampoline_lowered:
0x8: {  	[smem:$0x3FAB] =	sst s0  }
0x9: {  	[smem:$0x3FAC] =	sst s1  }
0xa: {  	[smem:$0x3FAD] =	sst s2  }
0xb: {  	[smem:$0x3FAE] =	sst s3  }
0xc: {  	[smem:$0x3FAF] =	sst s4  }
0xd: {  	[smem:$0x3FB0] =	sst s5  }
0xe: {  	[smem:$0x3FB1] =	sst s6  }
0xf: {  	[smem:$0x3FB2] =	sst s7  }
0x10: {  	[smem:$0x3FB3] =	sst s8  }
0x11: {  	[smem:$0x3FB4] =	sst s9;
	s0 =	simm.s32 @!p0 $0x0  }
0x12: {  	s1 =	sld [smem:$0x3F9A];
	s0 =	simm.s32 @p0 $0x1  }
0x13: {  	[smem:$0x3FB5] =	sst s0;
	s0 =	simm.s32 @!p1 $0x0  }
0x14: {  	s2 =	sld [smem:$0x3F99];
	s0 =	simm.s32 @p1 $0x1  }
0x15: {  	[smem:$0x3FB6] =	sst s0;
	s0 =	simm.s32 @!p2 $0x0  }
0x16: {  	s3 =	sld [smem:$0x3FDB];
	s0 =	simm.s32 @p2 $0x1  }
0x17: {  	s4 =	simm.s32 $0x1BF5;
	[smem:$0x3FB8] =	sst s0  }
0x18: {  	s0 =	sld [smem:$0x3F9B];
	_ =	swait.ge [sflag:s4], $0x0  }
0x19: {  	s7 =	sld [smem:$0x3F9C]  }
0x1a: {  	s8 =	sadd.s32 $0xFFFFE003, lr  }
0x1b: {  	s9 =	sadd.s32 $0xFFFFFEF7, lr;
	s5 =	simm.s32 $0xFFFFFFFF;
	p2 =	slt.u32 s8, $0xFFFFF086  }
0x1c: {  	p1 =	slt.u32 s9, $0xF7A;
	s5 =	simm.s32 @!p2 $0x0  }
0x1d: {  	s5 =	simm.s32 @p1 $0x1;
	p0 =	seq.s32 s7, s2  }
0x1e: {  	s7 =	smul.u32 @!p0 $0xF7A, s2;
	p2 =	seq.s32 @!p0 s5, $0x0  }
0x1f: {  	s9 =	smul.u32 $0xF7A, s1;
	s8 =	simm.s32 @!p0 $0x1BF5;
	p2 =	por !p2, p0  }
0x20: {  	[sflag:s8] =	ssyncset.s32 @!p0 $0xFFFFF086;
	s6 =	sadd.s32 @!p0 s3, s7;
	s7 =	simm.s32 @!p0 $0x108  }
0x21: {  	s3 =	sadd.s32 s3, s9;
	s6 =	sadd.s32 @!p0 $0x88, s6;
	s7 =	simm.s32 @p2 $0x1082  }
0x22: {  	[simem:s7], [sflag:s8] =	dma.local @!p0 [hbm:s6], $0xF7A  }
0x23: {  	s9 =	sor.u32 $0xD0000000, s2;
	s6 =	simm.s32 $0x108;
	_ =	swait.ge @!p0 [sflag:s8], $0x0  }
0x24: {  	s3 =	sadd.s32 $0x88, s3;
	s6 =	simm.s32 @!p1 $0x1082;
	[sflag:s4] =	ssyncset.s32 $0xFFFFF086  }
0x25: {  	[simem:s6], [sflag:s4] =	dma.local [hbm:s3], $0xF7A  }
0x26: {  	[smem:$0x3F9C] =	sst s1;
	(tag) =	ssettag s2;
	_ =	strace s9  }
0x27: {  	s1 =	sld [smem:$0x3FAC]  }
0x28: {  	s2 =	sld [smem:$0x3FAD]  }
0x29: {  	s4 =	sld [smem:$0x3FAF]  }
0x2a: {  	p0 =	seq.s32 s5, $0x0;
	s5 =	sld [smem:$0x3FB0]  }
0x2b: {  	s6 =	sld [smem:$0x3FB1]  }
0x2c: {  	s7 =	sld [smem:$0x3FB2]  }
0x2d: {  	s3 =	simm.s32 $0x108;
	s8 =	sld [smem:$0x3FB3]  }
0x2e: {  	s3 =	simm.s32 @!p0 $0x1082;
	s9 =	sld [smem:$0x3FB4]  }
0x2f: {  	lr =	sadd.s32 s0, s3;
	s0 =	sld [smem:$0x3FAB]  }
0x30: {  	s3 =	sld [smem:$0x3FAE]  }
0x31: {  	[smem:$0x3FB7] =	sst s10  }
0x32: {  	s10 =	sld [smem:$0x3FB5];
	_ =	sdelay $0x3  }
0x33: {  	p0 =	seq.s32 s10, $0x1;
	s10 =	sld [smem:$0x3FB7];
	_ =	sdelay $0x3  }
0x34: {  	[smem:$0x3FB7] =	sst s10  }
0x35: {  	s10 =	sld [smem:$0x3FB6];
	_ =	sdelay $0x3  }
0x36: {  	p1 =	seq.s32 s10, $0x1;
	s10 =	sld [smem:$0x3FB7];
	_ =	sdelay $0x3  }
0x37: {  	[smem:$0x3FB7] =	sst s10  }
0x38: {  	s10 =	sld [smem:$0x3FB8]  }
0x39: {  	_ = 	snop;
	(pc) =	sbr.ind lr, $3  }
0x3a: {  	_ = 	snop  }
0x3b: {  	_ = 	snop  }
0x3c: {  	p2 =	seq.s32 s10, $0x1;
	s10 =	sld [smem:$0x3FB7]  }
0x3d: {  	_ =	shalt  }
0x3e: {  	_ =	shalt  }
0x3f: {  	_ =	shalt  }
0x40: {  	_ =	shalt  }
0x41: {  	_ =	shalt  }
0x42: {  	_ =	shalt  }
0x43: {  	_ =	shalt  }
0x44: {  	_ =	shalt  }
0x45: {  	_ =	shalt  }
0x46: {  	_ =	shalt  }
0x47: {  	_ =	shalt  }
0x48: {  	_ =	shalt  }
0x49: {  	_ =	shalt  }
0x4a: {  	_ =	shalt  }
0x4b: {  	_ =	shalt  }
0x4c: {  	_ =	shalt  }
0x4d: {  	_ =	shalt  }
0x4e: {  	_ =	shalt  }
0x4f: {  	_ =	shalt  }
0x50: {  	_ =	shalt  }
0x51: {  	_ =	shalt  }
0x52: {  	_ =	shalt  }
0x53: {  	_ =	shalt  }
0x54: {  	_ =	shalt  }
0x55: {  	_ =	shalt  }
0x56: {  	_ =	shalt  }
0x57: {  	_ =	shalt  }
0x58: {  	_ =	shalt  }
0x59: {  	_ =	shalt  }
0x5a: {  	_ =	shalt  }
0x5b: {  	_ =	shalt  }
0x5c: {  	_ =	shalt  }
0x5d: {  	_ =	shalt  }
0x5e: {  	_ =	shalt  }
0x5f: {  	_ =	shalt  }
0x60: {  	_ =	shalt  }
0x61: {  	_ =	shalt  }
0x62: {  	_ =	shalt  }
0x63: {  	_ =	shalt  }
0x64: {  	_ =	shalt  }
0x65: {  	_ =	shalt  }
0x66: {  	_ =	shalt  }
0x67: {  	_ =	shalt  }
0x68: {  	_ =	shalt  }
0x69: {  	_ =	shalt  }
0x6a: {  	_ =	shalt  }
0x6b: {  	_ =	shalt  }
0x6c: {  	_ =	shalt  }
0x6d: {  	_ =	shalt  }
0x6e: {  	_ =	shalt  }
0x6f: {  	_ =	shalt  }
0x70: {  	_ =	shalt  }
0x71: {  	_ =	shalt  }
0x72: {  	_ =	shalt  }
0x73: {  	_ =	shalt  }
0x74: {  	_ =	shalt  }
0x75: {  	_ =	shalt  }
0x76: {  	_ =	shalt  }
0x77: {  	_ =	shalt  }
0x78: {  	_ =	shalt  }
0x79: {  	_ =	shalt  }
0x7a: {  	_ =	shalt  }
0x7b: {  	_ =	shalt  }
0x7c: {  	_ =	shalt  }
0x7d: {  	_ =	shalt  }
0x7e: {  	_ =	shalt  }
0x7f: {  	_ =	shalt  }
0x80: {  	_ =	shalt  }
0x81: {  	_ =	shalt  }
0x82: {  	_ =	shalt  }
0x83: {  	_ =	shalt  }
0x84: {  	_ =	shalt  }
0x85: {  	_ =	shalt  }
0x86: {  	_ =	shalt  }
0x87: {  	_ =	shalt  }
.Lfunc_end0:
.L_simem_size_0:
called_computation.1_lowered:
.L_overlay_start_0:
0x88: {  	s2 =	sld [smem:$0x3FD9]  }
0x89: {  	s3 =	sld [smem:$0x3FFE];
	_ =	sdelay $0x1  }
0x8a: {  	s1 =	srdreg.scid  }
0x8b: {  	s0 =	sand.u32 $0x1, s1  }
0x8c: {  	s14 =	sshll.u32 s0, $0xA;
	s2 =	sadd.s32 s3, s2  }
0x8d: {  	s2 =	sadd.s32 s2, s14  }
0x8e: {  	[smem:$0x3FC3] =	sst s2  }
0x8f: {  	_ = 	snop  }
0x90: {  	s2 =	sld [smem:$0x3FD0];
	_ =	sdelay $0x2  }
0x91: {  	s15 =	simm.s32 $0xB;
	s4 =	simm.s32 $0x10  }
0x92: {  	[smem:s4], [sflag:s15] =	dma.local [hbm:s2], $0x1  }
0x93: {  	_ =	swait.eq [sflag:s15], $0x1  }
0x94: {  	[sflag:s15] =	ssyncset.done $0x0  }
0x95: {  	s16 =	sld [smem:$0x10];
	[sflag:s15] =	ssyncadd.s32 $0xFFFFFFFF  }
0x96: {  	s17 =	sld [smem:$0x11];
	(tm) =	ssettm $0x1  }
0x97: {  	s18 =	sld [smem:$0x3FFB];
	_ =	sdelay $0x3  }
0x98: {  	_ =	strace s18  }
0x99: {  	s4 =	sld [smem:$0x3FFC];
	_ =	sdelay $0x3  }
0x9a: {  	_ =	strace s4  }
0x9b: {  	s4 =	sld [smem:$0x3FFD];
	_ =	sdelay $0x3  }
0x9c: {  	_ =	strace s4  }
0x9d: {  	_ =	strace $0x8FFFFFFF  }
0x9e: {  	s19 =	sld [smem:$0x3FDB];
	_ =	sdelay $0x1  }
0x9f: {  	s5 =	simm.s32 $_scs_section_size  }
0xa0: {  	s6 =	simm.s32 $_size__tile_overlayer_lowered;
	s7 =	simm.s32 $_tile_overlayer_lowered  }
0xa1: {  	s22 =	simm.s32 $0x1BFF;
	s21 =	sshll.u32 s7, $0x1;
	s4 =	sadd.s32 s5, s19  }
0xa2: {  	s8 =	simm.s32 $0x0;
	s20 =	sshll.u32 s6, $0x1;
	s6 =	sadd.s32 s21, s4  }
0xa3: {  	[timem:s8], [sflag:s22] =	dma.local [hbm:s6], s20  }
0xa4: {  	_ =	swait.ge [sflag:s22], s20  }
0xa5: {  	s5 =	ssub.s32 $0x0, s20;
	[sflag:s22] =	ssyncset.done $0x0  }
0xa6: {  	[sflag:s22] =	ssyncadd.s32 s5;
	_ =	sdelay $0x1  }
0xa7: {  	s23 =	simm.s32 $0x1B8B  }
0xa8: {  	_ =	swait.ge [sflag:s23], $0x1  }
0xa9: {  	[sflag:s23] =	ssyncset.done $0x0  }
0xaa: {  	s25 =	simm.s32 $0x1B8E;
	s24 =	sld [smem:$0x3FFE];
	[sflag:s23] =	ssyncadd.s32 $0xFFFFFFFF  }
0xab: {  	s26 =	simm.s32 $execute0_lowered;
	[smem:$0x3FD2] =	sst s25  }
0xac: {  	s6 =	sshll.u32 s26, $0x1;
	_ =	strace $0x80000049;
	[dreg:$0x1] =	wrdreg $0xFFFFFFFF  }
0xad: {  	s28 =	simm.s32 $_size_execute0_lowered;
	s4 =	sadd.s32 s4, s6;
	[dreg:$0x0] =	wrdreg $0x0  }
0xae: {  	s6 =	sshll.u32 s28, $0x1;
	[dreg:$0x2] =	wrdreg s4  }
0xaf: {  	[dreg:$0x3] =	wrdreg s6  }
0xb0: {  	[dreg:$0x4] =	wrdreg $0xC0  }
0xb1: {  	_ =	task [dreg:s8], $0x5FFFF  }
0xb2: {  	[dreg:$0x1] =	wrdreg $0xFFFFFFFF  }
0xb3: {  	[dreg:$0x0] =	wrdreg $0x60  }
0xb4: {  	[dreg:$0x2] =	wrdreg s16  }
0xb5: {  	[dreg:$0x3] =	wrdreg s17  }
0xb6: {  	[dreg:$0x4] =	wrdreg s24  }
0xb7: {  	[dreg:$0x5] =	wrdreg $0x9  }
0xb8: {  	_ =	task.clear_ibuf [dreg:s8], $0x6FFFF;
	_ =	strace $0x90000049  }
0xb9: {  	s29 =	simm.s32 $0x9;
	_ =	strace $0x8000004B  }
0xba: {  	_ =	swait.ge [sflag:s29], $0x1  }
0xbb: {  	[sflag:s29] =	ssyncadd.s32 $0xFFFFFFFF  }
0xbc: {  	_ =	strace $0x9000004B  }
0xbd: {  	_ =	sfence  }
0xbe: {  	s30 =	sld [smem:$0x0];
	_ =	sdelay $0x2  }
0xbf: {  	s31 =	sshll.u32 s1, $0xD;
	s1 =	sshrl.u32 s1, $0x2  }
0xc0: {  	s3 =	sand.u32 $0x4000, s31;
	s1 =	sadd.s32 s1, s30  }
0xc1: {  	s0 =	sor.u32 s3, s0;
	s1 =	sshll.u32 s1, $0x11  }
0xc2: {  	s0 =	sor.u32 s1, s0  }
0xc3: {  	s0 =	sadd.s32 $0x8F2B, s0  }
0xc4: {  	[sflag:s0] =	ssyncadd.remote.s32 $0x1  }
0xc5: {  	_ =	sfence.sel $0xFFFF  }
0xc6: {  	[dreg:$0x0] =	wrdreg $0xFFFFFFFF;
	(pc) =	sbr.abs _section_cstart, $3  }
0xc7: {  	[dreg:$0x1] =	wrdreg $0xFFFFFFFF  }
0xc8: {  	_ =	task.clear_ibuf [dreg:s8], $0x2FFFF;
	_ =	strace $0x9FFFFFFF  }
0xc9: {  	(tm) =	ssettm $0x7FFFFFFF  }
tec
execute0_lowered:
.L_overlay_start_1:
0x0: {  	(tag) =	ssettag $0x1  }
0x1: {  	s1 =	rddreg [dreg:$0x0]  }
0x2: {  	s4 =	rddreg [dreg:$0x1]  }
0x3: {  	s5 =	rddreg [dreg:$0x2]  }
0x4: {  	s0 =	rddreg [dreg:$0x3]  }
0x5: {  	s6 =	srdreg.scid;
	s2 =	stileid.u32  }
0x6: {  	s3 =	simm.s32 $0x0;
	s12 =	simm.s32 $0x80;
	s13 =	simm.s32 $0x6800  }
0x7: {  	s14 =	simm.s32 $0x9000;
	s15 =	simm.s32 $0x1;
	s16 =	simm.s32 $0x2  }
0x8: {  	s17 =	simm.s32 $0x3;
	s18 =	simm.s32 $0x0;
	s6 =	sand.u32 $0x1, s6  }
0x9: {  	s7 =	sshll.u32 s2, $0x1;
	[smem:$0x7FF] =	sst s3;
	s5 =	sadd.s32 $0x87000, s5  }
0xa: {  	s29 =	smul.u32 $0x4E200, s2;
	s8 =	ssub.s32 $0x2, s6;
	s7 =	sor.u32 s6, s7  }
0xb: {  	_ =	strace $0x8000004A;
	s11 =	smul.u32 $0x27100, s6;
	s9 =	sshrl.u32 s8, $0x1  }
0xc: {  	s10 =	smul.u32 $0x138800, s7;
	s7 =	sshll.u32 s7, $0xB;
	s31 =	sadd.s32 s29, s5  }
0xd: {  	s8 =	ssub.s32 s8, s9;
	s4 =	sadd.s32 s4, s7;
	s9 =	sadd.s32 s11, s31  }
0xe: {  	s11 =	simm.s32 $0x4000;
	s10 =	sshrl.u32 s10, $0x3;
	s7 =	smax.u32 s8, $0x1  }
0xf: {  	s8 =	sadd.s32 $0x500, s9;
	s9 =	simm.s32 $0x4;
	s30 =	sadd.s32 s5, s10  }
0x10: {  	s10 =	simm.s32 $0x50;
	s5 =	sadd.s32 $0x26700, s30;
	s6 =	sadd.s32 $0x26C00, s30  }
.LBB2_1:
0x11: {  	[tilespmem:s3], [sflag:$0x4] =	stream.linear.gather [hbm4b:s4+s3], $0x3E80, $0x38;
	[tilespmem:$0xB800] =	vst v63  }
0x12: {  	_ =	swait.ge [sflag:s9], $0x3E80  }
0x13: {  	[sflag:s9] =	ssyncset.done $0x0  }
0x14: {  	[sflag:s9] =	ssyncadd.s32 $0xFFFFC180  }
0x15: {  	[tilespmem:s11], [sflag:$0x1] =	stream.indirect.gather [hbm4b:s1+s10], $0x80, s3, s10, $0xb8;
	[tilespmem:$0xB800] =	vst v63  }
0x16: {  	_ = 	snop  }
0x17: {  	[tilespmem:s13], [sflag:$0x2] =	stream.indirect.gather [hbm4b:s1+s10], $0x80, s12, s10, $0xb8;
	[tilespmem:$0xB800] =	vst v63  }
0x18: {  	s19 =	simm.s32 $0x100  }
0x19: {  	[tilespmem:s14], [sflag:$0x3] =	stream.indirect.gather [hbm4b:s1+s10], $0x80, s19, s10, $0xb8;
	[tilespmem:$0xB800] =	vst v63  }
0x1a: {  	_ =	swait.ge [sflag:s15], $0x2800  }
0x1b: {  	[sflag:s15] =	ssyncset.done $0x0  }
0x1c: {  	s28 =	sadd.s32 $0xFFFFFB00, s8;
	[sflag:s15] =	ssyncadd.s32 $0xFFFFD800  }
0x1d: {  	[hbm4b:s28+s3] =	stream.linear.scatter [tilespmem:s11], [sflag:$0x4], $0x2800, $0x38;
	[tilespmem:$0xB800] =	vst v63  }
0x1e: {  	_ =	swait.ge [sflag:s9], $0x2800  }
0x1f: {  	[sflag:s9] =	ssyncset.done $0x0  }
0x20: {  	s29 =	simm.s32 $0x180;
	[sflag:s9] =	ssyncadd.s32 $0xFFFFD800  }
0x21: {  	[tilespmem:s11], [sflag:$0x1] =	stream.indirect.gather [hbm4b:s1+s10], $0x80, s29, s10, $0xb8;
	[tilespmem:$0xB800] =	vst v63  }
0x22: {  	_ =	swait.ge [sflag:s16], $0x2800  }
0x23: {  	[sflag:s16] =	ssyncset.done $0x0  }
0x24: {  	[sflag:s16] =	ssyncadd.s32 $0xFFFFD800  }
0x25: {  	[hbm4b:s8+s3] =	stream.linear.scatter [tilespmem:s13], [sflag:$0x4], $0x2800, $0x38;
	[tilespmem:$0xB800] =	vst v63  }
0x26: {  	_ =	swait.ge [sflag:s9], $0x2800  }
0x27: {  	[sflag:s9] =	ssyncset.done $0x0  }
0x28: {  	s30 =	simm.s32 $0x200;
	[sflag:s9] =	ssyncadd.s32 $0xFFFFD800  }
0x29: {  	[tilespmem:s13], [sflag:$0x2] =	stream.indirect.gather [hbm4b:s1+s10], $0x80, s30, s10, $0xb8;
	[tilespmem:$0xB800] =	vst v63  }
0x2a: {  	_ =	swait.ge [sflag:s17], $0x2800  }
0x2b: {  	[sflag:s17] =	ssyncset.done $0x0  }
0x2c: {  	s31 =	sadd.s32 $0x500, s8;
	[sflag:s17] =	ssyncadd.s32 $0xFFFFD800  }
0x2d: {  	[hbm4b:s31+s3] =	stream.linear.scatter [tilespmem:s14], [sflag:$0x4], $0x2800, $0x38;
	[tilespmem:$0xB800] =	vst v63  }
0x2e: {  	s21 =	simm.s32 $0xC00;
	_ =	swait.ge [sflag:s9], $0x2800  }
0x2f: {  	s20 =	simm.s32 $0x180;
	s19 =	sadd.s32 $0xF00, s8;
	[sflag:s9] =	ssyncset.done $0x0  }
.LBB2_2:
0x30: {  	s22 =	sadd.s32 $0x100, s20  }
0x31: {  	[sflag:s9] =	ssyncadd.s32 $0xFFFFD800;
	s23 =	smov.u32 s21;
	s24 =	sadd.s32 $0x600, s21  }
0x32: {  	[tilespmem:s14], [sflag:$0x3] =	stream.indirect.gather [hbm4b:s1+s10], $0x80, s22, s10, $0xb8;
	[tilespmem:$0xB800] =	vst v63  }
0x33: {  	p0 =	sne.s32 s21, $0xF000;
	_ =	swait.ge [sflag:s15], $0x2800  }
0x34: {  	[sflag:s15] =	ssyncset.done $0x0  }
0x35: {  	s21 =	sadd.s32 $0xFFFFFB00, s19;
	[sflag:s15] =	ssyncadd.s32 $0xFFFFD800  }
0x36: {  	[hbm4b:s21+s3] =	stream.linear.scatter [tilespmem:s11], [sflag:$0x4], $0x2800, $0x38;
	[tilespmem:$0xB800] =	vst v63  }
0x37: {  	_ =	swait.ge [sflag:s9], $0x2800  }
0x38: {  	[sflag:s9] =	ssyncset.done $0x0  }
0x39: {  	s21 =	sadd.s32 $0x180, s20;
	[sflag:s9] =	ssyncadd.s32 $0xFFFFD800  }
0x3a: {  	[tilespmem:s11], [sflag:$0x1] =	stream.indirect.gather [hbm4b:s1+s10], $0x80, s21, s10, $0xb8;
	[tilespmem:$0xB800] =	vst v63  }
0x3b: {  	_ =	swait.ge [sflag:s16], $0x2800  }
0x3c: {  	[sflag:s16] =	ssyncset.done $0x0  }
0x3d: {  	[sflag:s16] =	ssyncadd.s32 $0xFFFFD800  }
0x3e: {  	[hbm4b:s19+s3] =	stream.linear.scatter [tilespmem:s13], [sflag:$0x4], $0x2800, $0x38;
	[tilespmem:$0xB800] =	vst v63  }
0x3f: {  	_ =	swait.ge [sflag:s9], $0x2800  }
0x40: {  	[sflag:s9] =	ssyncset.done $0x0  }
0x41: {  	s20 =	sadd.s32 $0x200, s20;
	[sflag:s9] =	ssyncadd.s32 $0xFFFFD800  }
0x42: {  	[tilespmem:s13], [sflag:$0x2] =	stream.indirect.gather [hbm4b:s1+s10], $0x80, s20, s10, $0xb8;
	[tilespmem:$0xB800] =	vst v63  }
0x43: {  	_ =	swait.ge [sflag:s17], $0x2800  }
.Ltmp0:
0x44: {  	[sflag:s17] =	ssyncset.done $0x0;
	(pc) =	sbr.rel @p0 .LBB2_2-.Ltmp0, $4  }
0x45: {  	s20 =	sadd.s32 $0x500, s19;
	[sflag:s17] =	ssyncadd.s32 $0xFFFFD800  }
0x46: {  	[hbm4b:s20+s3] =	stream.linear.scatter [tilespmem:s14], [sflag:$0x4], $0x2800, $0x38;
	[tilespmem:$0xB800] =	vst v63  }
0x47: {  	s21 =	smov.u32 s24;
	_ =	swait.ge [sflag:s9], $0x2800  }
0x48: {  	s19 =	sadd.s32 $0xF00, s19;
	s20 =	sshra.s32 s23, $0x2;
	[sflag:s9] =	ssyncset.done $0x0  }
0x49: {  	s21 =	sadd.s32 $0x100, s20;
	[sflag:s9] =	ssyncadd.s32 $0xFFFFD800  }
0x4a: {  	[tilespmem:s14], [sflag:$0x3] =	stream.indirect.gather [hbm4b:s1+s10], $0x80, s21, s10, $0xb8;
	[tilespmem:$0xB800] =	vst v63  }
0x4b: {  	_ =	swait.ge [sflag:s15], $0x2800  }
0x4c: {  	[sflag:s15] =	ssyncset.done $0x0  }
0x4d: {  	s28 =	sadd.s32 $0xFFFFFB00, s19;
	[sflag:s15] =	ssyncadd.s32 $0xFFFFD800  }
0x4e: {  	[hbm4b:s28+s3] =	stream.linear.scatter [tilespmem:s11], [sflag:$0x4], $0x2800, $0x38;
	[tilespmem:$0xB800] =	vst v63  }
0x4f: {  	_ =	swait.ge [sflag:s9], $0x2800  }
0x50: {  	[sflag:s9] =	ssyncset.done $0x0  }
0x51: {  	s29 =	sadd.s32 $0x180, s20;
	[sflag:s9] =	ssyncadd.s32 $0xFFFFD800  }
0x52: {  	[tilespmem:s11], [sflag:$0x1] =	stream.indirect.gather [hbm4b:s1+s10], $0x80, s29, s10, $0xb8;
	[tilespmem:$0xB800] =	vst v63  }
0x53: {  	_ =	swait.ge [sflag:s16], $0x2800  }
0x54: {  	[sflag:s16] =	ssyncset.done $0x0  }
0x55: {  	[sflag:s16] =	ssyncadd.s32 $0xFFFFD800  }
0x56: {  	[hbm4b:s19+s3] =	stream.linear.scatter [tilespmem:s13], [sflag:$0x4], $0x2800, $0x38;
	[tilespmem:$0xB800] =	vst v63  }
0x57: {  	_ =	swait.ge [sflag:s9], $0x2800  }
0x58: {  	[sflag:s9] =	ssyncset.done $0x0  }
0x59: {  	s30 =	sadd.s32 $0x200, s20;
	[sflag:s9] =	ssyncadd.s32 $0xFFFFD800  }
0x5a: {  	[tilespmem:s13], [sflag:$0x2] =	stream.indirect.gather [hbm4b:s1+s10], $0x80, s30, s10, $0xb8;
	[tilespmem:$0xB800] =	vst v63  }
0x5b: {  	_ =	swait.ge [sflag:s17], $0x2800  }
0x5c: {  	[sflag:s17] =	ssyncset.done $0x0  }
0x5d: {  	s31 =	sadd.s32 $0x500, s19;
	[sflag:s17] =	ssyncadd.s32 $0xFFFFD800  }
0x5e: {  	[hbm4b:s31+s3] =	stream.linear.scatter [tilespmem:s14], [sflag:$0x4], $0x2800, $0x38;
	[tilespmem:$0xB800] =	vst v63  }
0x5f: {  	_ =	swait.ge [sflag:s9], $0x2800  }
0x60: {  	[sflag:s9] =	ssyncset.done $0x0  }
0x61: {  	[sflag:s9] =	ssyncadd.s32 $0xFFFFD800  }
0x62: {  	_ =	swait.ge [sflag:s15], $0x2800  }
0x63: {  	[sflag:s15] =	ssyncset.done $0x0  }
0x64: {  	[sflag:s15] =	ssyncadd.s32 $0xFFFFD800  }
0x65: {  	[hbm4b:s5+s3] =	stream.linear.scatter [tilespmem:s11], [sflag:$0x4], $0x2800, $0x38;
	[tilespmem:$0xB800] =	vst v63  }
0x66: {  	_ =	swait.ge [sflag:s9], $0x2800  }
0x67: {  	[sflag:s9] =	ssyncset.done $0x0  }
0x68: {  	[sflag:s9] =	ssyncadd.s32 $0xFFFFD800  }
0x69: {  	s18 =	sadd.s32 $0x1, s18;
	_ =	swait.ge [sflag:s16], $0x2800  }
0x6a: {  	p0 =	sne.s32 s18, s7;
	[sflag:s16] =	ssyncset.done $0x0  }
.Ltmp1:
0x6b: {  	[sflag:s16] =	ssyncadd.s32 $0xFFFFD800;
	(pc) =	sbr.rel @p0 .LBB2_1-.Ltmp1, $4  }
0x6c: {  	[hbm4b:s6+s3] =	stream.linear.scatter [tilespmem:s13], [sflag:$0x4], $0x2800, $0x38;
	[tilespmem:$0xB800] =	vst v63  }
0x6d: {  	_ =	swait.ge [sflag:s9], $0x2800  }
0x6e: {  	[sflag:s9] =	ssyncset.done $0x0  }
0x6f: {  	[sflag:s9] =	ssyncadd.s32 $0xFFFFD800  }
0x70: {  	_ =	sfence.sel $0x180000  }
0x71: {  	[bflag:$0x0] =	sbarrier.arrive $0xFFFF  }
0x72: {  	p0 =	sne.s32 s2, $0x0;
	_ =	strace $0x9000004A  }
0x73: {  	s0 =	sadd.s32 @!p0 $0x100000, s0;
	[bflag:$0x2] =	sbarrier.arrive $0xFFFF  }
0x74: {  	[sflag:s0] =	ssyncadd.tile.s32 @!p0 $0x1;
	_ =	shalt  }
.Lfunc_end2:
_tile_overlayer_lowered:
.L_overlay_start_2:
0x75: {  	(tag) =	ssettag $0x2  }
0x76: {  	s0 =	rddreg [dreg:$0x0];
	s2 =	stileid.u32  }
0x77: {  	s1 =	rddreg [dreg:$0x1];
	p0 =	sne.s32 s2, $0x0  }
0x78: {  	s3 =	rddreg [dreg:$0x2];
	[bflag:$0x3] =	sbarrier.arrive $0xFFFF;
	s2 =	simm.s32 @!p0 $0x1C04  }
0x79: {  	[timem:s3], [sflag:s2] =	dma.local @!p0 [hbm:s0], s1  }
0x7a: {  	s0 =	simm.s32 @!p0 $0x4  }
0x7b: {  	_ =	swait.ge @!p0 [sflag:s0], s1  }
0x7c: {  	s1 =	ssub.s32 @!p0 $0x0, s1;
	[sflag:s0] =	ssyncset.done @!p0 $0x0  }
0x7d: {  	[sflag:s0] =	ssyncadd.s32 @!p0 s1  }
0x7e: {  	[bflag:$0x3] =	sbarrier.arrive $0xFFFF  }
0x7f: {  	_ =	shalt  }

// kernel: kernel.14.cloned.1.call-start
scs
__scs_entry_jumppad:
0x0: {  	(pc) =	sbr.rel $0x88, $3  }
0x1: {  	(tag) =	ssettag $0x0;
	lr =	simm.s32 $0x1  }
0x2: {  	[smem:$0x3F9C] =	sst lr;
	_ =	strace $0xD0000000  }
0x3: {  	_ = 	snop  }
0x4: {  	_ = 	snop  }
0x5: {  	_ = 	snop  }
0x6: {  	_ = 	snop  }
0x7: {  	_ = 	snop  }
__scs_overlays_trampoline_lowered:
0x8: {  	[smem:$0x3FAB] =	sst s0  }
0x9: {  	[smem:$0x3FAC] =	sst s1  }
0xa: {  	[smem:$0x3FAD] =	sst s2  }
0xb: {  	[smem:$0x3FAE] =	sst s3  }
0xc: {  	[smem:$0x3FAF] =	sst s4  }
0xd: {  	[smem:$0x3FB0] =	sst s5  }
0xe: {  	[smem:$0x3FB1] =	sst s6  }
0xf: {  	[smem:$0x3FB2] =	sst s7  }
0x10: {  	[smem:$0x3FB3] =	sst s8  }
0x11: {  	[smem:$0x3FB4] =	sst s9;
	s0 =	simm.s32 @!p0 $0x0  }
0x12: {  	s1 =	sld [smem:$0x3F9A];
	s0 =	simm.s32 @p0 $0x1  }
0x13: {  	[smem:$0x3FB5] =	sst s0;
	s0 =	simm.s32 @!p1 $0x0  }
0x14: {  	s2 =	sld [smem:$0x3F99];
	s0 =	simm.s32 @p1 $0x1  }
0x15: {  	[smem:$0x3FB6] =	sst s0;
	s0 =	simm.s32 @!p2 $0x0  }
0x16: {  	s3 =	sld [smem:$0x3FDB];
	s0 =	simm.s32 @p2 $0x1  }
0x17: {  	s4 =	simm.s32 $0x1BF5;
	[smem:$0x3FB8] =	sst s0  }
0x18: {  	s0 =	sld [smem:$0x3F9B];
	_ =	swait.ge [sflag:s4], $0x0  }
0x19: {  	s7 =	sld [smem:$0x3F9C]  }
0x1a: {  	s8 =	sadd.s32 $0xFFFFE003, lr  }
0x1b: {  	s9 =	sadd.s32 $0xFFFFFEF7, lr;
	s5 =	simm.s32 $0xFFFFFFFF;
	p2 =	slt.u32 s8, $0xFFFFF086  }
0x1c: {  	p1 =	slt.u32 s9, $0xF7A;
	s5 =	simm.s32 @!p2 $0x0  }
0x1d: {  	s5 =	simm.s32 @p1 $0x1;
	p0 =	seq.s32 s7, s2  }
0x1e: {  	s7 =	smul.u32 @!p0 $0xF7A, s2;
	p2 =	seq.s32 @!p0 s5, $0x0  }
0x1f: {  	s9 =	smul.u32 $0xF7A, s1;
	s8 =	simm.s32 @!p0 $0x1BF5;
	p2 =	por !p2, p0  }
0x20: {  	[sflag:s8] =	ssyncset.s32 @!p0 $0xFFFFF086;
	s6 =	sadd.s32 @!p0 s3, s7;
	s7 =	simm.s32 @!p0 $0x108  }
0x21: {  	s3 =	sadd.s32 s3, s9;
	s6 =	sadd.s32 @!p0 $0x88, s6;
	s7 =	simm.s32 @p2 $0x1082  }
0x22: {  	[simem:s7], [sflag:s8] =	dma.local @!p0 [hbm:s6], $0xF7A  }
0x23: {  	s9 =	sor.u32 $0xD0000000, s2;
	s6 =	simm.s32 $0x108;
	_ =	swait.ge @!p0 [sflag:s8], $0x0  }
0x24: {  	s3 =	sadd.s32 $0x88, s3;
	s6 =	simm.s32 @!p1 $0x1082;
	[sflag:s4] =	ssyncset.s32 $0xFFFFF086  }
0x25: {  	[simem:s6], [sflag:s4] =	dma.local [hbm:s3], $0xF7A  }
0x26: {  	[smem:$0x3F9C] =	sst s1;
	(tag) =	ssettag s2;
	_ =	strace s9  }
0x27: {  	s1 =	sld [smem:$0x3FAC]  }
0x28: {  	s2 =	sld [smem:$0x3FAD]  }
0x29: {  	s4 =	sld [smem:$0x3FAF]  }
0x2a: {  	p0 =	seq.s32 s5, $0x0;
	s5 =	sld [smem:$0x3FB0]  }
0x2b: {  	s6 =	sld [smem:$0x3FB1]  }
0x2c: {  	s7 =	sld [smem:$0x3FB2]  }
0x2d: {  	s3 =	simm.s32 $0x108;
	s8 =	sld [smem:$0x3FB3]  }
0x2e: {  	s3 =	simm.s32 @!p0 $0x1082;
	s9 =	sld [smem:$0x3FB4]  }
0x2f: {  	lr =	sadd.s32 s0, s3;
	s0 =	sld [smem:$0x3FAB]  }
0x30: {  	s3 =	sld [smem:$0x3FAE]  }
0x31: {  	[smem:$0x3FB7] =	sst s10  }
0x32: {  	s10 =	sld [smem:$0x3FB5];
	_ =	sdelay $0x3  }
0x33: {  	p0 =	seq.s32 s10, $0x1;
	s10 =	sld [smem:$0x3FB7];
	_ =	sdelay $0x3  }
0x34: {  	[smem:$0x3FB7] =	sst s10  }
0x35: {  	s10 =	sld [smem:$0x3FB6];
	_ =	sdelay $0x3  }
0x36: {  	p1 =	seq.s32 s10, $0x1;
	s10 =	sld [smem:$0x3FB7];
	_ =	sdelay $0x3  }
0x37: {  	[smem:$0x3FB7] =	sst s10  }
0x38: {  	s10 =	sld [smem:$0x3FB8]  }
0x39: {  	_ = 	snop;
	(pc) =	sbr.ind lr, $3  }
0x3a: {  	_ = 	snop  }
0x3b: {  	_ = 	snop  }
0x3c: {  	p2 =	seq.s32 s10, $0x1;
	s10 =	sld [smem:$0x3FB7]  }
0x3d: {  	_ =	shalt  }
0x3e: {  	_ =	shalt  }
0x3f: {  	_ =	shalt  }
0x40: {  	_ =	shalt  }
0x41: {  	_ =	shalt  }
0x42: {  	_ =	shalt  }
0x43: {  	_ =	shalt  }
0x44: {  	_ =	shalt  }
0x45: {  	_ =	shalt  }
0x46: {  	_ =	shalt  }
0x47: {  	_ =	shalt  }
0x48: {  	_ =	shalt  }
0x49: {  	_ =	shalt  }
0x4a: {  	_ =	shalt  }
0x4b: {  	_ =	shalt  }
0x4c: {  	_ =	shalt  }
0x4d: {  	_ =	shalt  }
0x4e: {  	_ =	shalt  }
0x4f: {  	_ =	shalt  }
0x50: {  	_ =	shalt  }
0x51: {  	_ =	shalt  }
0x52: {  	_ =	shalt  }
0x53: {  	_ =	shalt  }
0x54: {  	_ =	shalt  }
0x55: {  	_ =	shalt  }
0x56: {  	_ =	shalt  }
0x57: {  	_ =	shalt  }
0x58: {  	_ =	shalt  }
0x59: {  	_ =	shalt  }
0x5a: {  	_ =	shalt  }
0x5b: {  	_ =	shalt  }
0x5c: {  	_ =	shalt  }
0x5d: {  	_ =	shalt  }
0x5e: {  	_ =	shalt  }
0x5f: {  	_ =	shalt  }
0x60: {  	_ =	shalt  }
0x61: {  	_ =	shalt  }
0x62: {  	_ =	shalt  }
0x63: {  	_ =	shalt  }
0x64: {  	_ =	shalt  }
0x65: {  	_ =	shalt  }
0x66: {  	_ =	shalt  }
0x67: {  	_ =	shalt  }
0x68: {  	_ =	shalt  }
0x69: {  	_ =	shalt  }
0x6a: {  	_ =	shalt  }
0x6b: {  	_ =	shalt  }
0x6c: {  	_ =	shalt  }
0x6d: {  	_ =	shalt  }
0x6e: {  	_ =	shalt  }
0x6f: {  	_ =	shalt  }
0x70: {  	_ =	shalt  }
0x71: {  	_ =	shalt  }
0x72: {  	_ =	shalt  }
0x73: {  	_ =	shalt  }
0x74: {  	_ =	shalt  }
0x75: {  	_ =	shalt  }
0x76: {  	_ =	shalt  }
0x77: {  	_ =	shalt  }
0x78: {  	_ =	shalt  }
0x79: {  	_ =	shalt  }
0x7a: {  	_ =	shalt  }
0x7b: {  	_ =	shalt  }
0x7c: {  	_ =	shalt  }
0x7d: {  	_ =	shalt  }
0x7e: {  	_ =	shalt  }
0x7f: {  	_ =	shalt  }
0x80: {  	_ =	shalt  }
0x81: {  	_ =	shalt  }
0x82: {  	_ =	shalt  }
0x83: {  	_ =	shalt  }
0x84: {  	_ =	shalt  }
0x85: {  	_ =	shalt  }
0x86: {  	_ =	shalt  }
0x87: {  	_ =	shalt  }
.Lfunc_end0:
.L_simem_size_0:
called_computation.2_lowered:
.L_overlay_start_0:
0x88: {  	s2 =	sld [smem:$0x3FD9]  }
0x89: {  	s3 =	sld [smem:$0x3FFE];
	_ =	sdelay $0x1  }
0x8a: {  	s1 =	srdreg.scid  }
0x8b: {  	s0 =	sand.u32 $0x1, s1  }
0x8c: {  	s17 =	sshll.u32 s0, $0xA;
	s2 =	sadd.s32 s3, s2  }
0x8d: {  	s2 =	sadd.s32 s2, s17  }
0x8e: {  	[smem:$0x3FC3] =	sst s2  }
0x8f: {  	_ = 	snop  }
0x90: {  	s18 =	sld [smem:$0x3FC8];
	(tm) =	ssettm $0x1  }
0x91: {  	s19 =	sld [smem:$0x3FFB];
	_ =	sdelay $0x3  }
0x92: {  	_ =	strace s19  }
0x93: {  	s2 =	sld [smem:$0x3FFC];
	_ =	sdelay $0x3  }
0x94: {  	_ =	strace s2  }
0x95: {  	s2 =	sld [smem:$0x3FFD];
	_ =	sdelay $0x3  }
0x96: {  	_ =	strace s2  }
0x97: {  	_ =	strace $0x8FFFFFFF  }
0x98: {  	s20 =	sld [smem:$0x3FDB];
	_ =	sdelay $0x1  }
0x99: {  	s4 =	simm.s32 $_scs_section_size  }
0x9a: {  	s5 =	simm.s32 $_size__tile_overlayer_lowered;
	s6 =	simm.s32 $_tile_overlayer_lowered  }
0x9b: {  	s7 =	simm.s32 $0x1BFF;
	s21 =	sshll.u32 s6, $0x1;
	s4 =	sadd.s32 s4, s20  }
0x9c: {  	s22 =	simm.s32 $0x0;
	s5 =	sshll.u32 s5, $0x1;
	s6 =	sadd.s32 s21, s4  }
0x9d: {  	[timem:s22], [sflag:s7] =	dma.local [hbm:s6], s5  }
0x9e: {  	_ =	swait.ge [sflag:s7], s5  }
0x9f: {  	s5 =	ssub.s32 $0x0, s5;
	[sflag:s7] =	ssyncset.done $0x0  }
0xa0: {  	[sflag:s7] =	ssyncadd.s32 s5;
	_ =	sdelay $0x1  }
0xa1: {  	s23 =	simm.s32 $0x1B8B  }
0xa2: {  	_ =	swait.ge [sflag:s23], $0x1  }
0xa3: {  	[sflag:s23] =	ssyncset.done $0x0  }
0xa4: {  	[sflag:s23] =	ssyncadd.s32 $0xFFFFFFFF  }
0xa5: {  	s5 =	sld [smem:$0x0]  }
0xa6: {  	s6 =	sand.u32 $0xFFFFFFFE, s1  }
0xa7: {  	p0 =	sne.s32 s1, s6  }
0xa8: {  	s6 =	sshll.u32 @p0 s6, $0xE  }
0xa9: {  	s6 =	sadd.s32 @p0 $0x11B8D, s6;
	s7 =	sshll.u32 @p0 s5, $0x11  }
0xaa: {  	s6 =	sor.u32 @p0 s7, s6  }
0xab: {  	[sflag:s6] =	ssyncadd.remote.s32 @p0 $0x1;
	_ =	sdelay $0x1  }
0xac: {  	s6 =	simm.s32 @p0 $0x1B8D  }
0xad: {  	_ =	swait.eq @p0 [sflag:s6], $0x1  }
0xae: {  	[sflag:s6] =	ssyncadd.s32 @p0 $0xFFFFFFFF  }
0xaf: {  	s7 =	sshll.u32 @!p0 s1, $0xE  }
0xb0: {  	s7 =	sor.u32 @!p0 $0x4000, s7;
	s6 =	simm.s32 @!p0 $0x1B8D  }
0xb1: {  	s5 =	sshll.u32 @!p0 s5, $0x11;
	s7 =	sadd.s32 @!p0 $0x11B8D, s7;
	_ =	swait.eq @!p0 [sflag:s6], $0x1  }
0xb2: {  	s5 =	sor.u32 @!p0 s5, s7;
	[sflag:s6] =	ssyncadd.s32 @!p0 $0xFFFFFFFF  }
0xb3: {  	s25 =	simm.s32 $0x1B8E;
	s24 =	sld [smem:$0x3FFE];
	[sflag:s5] =	ssyncadd.remote.s32 @!p0 $0x1  }
0xb4: {  	s26 =	simm.s32 $execute0_lowered;
	[smem:$0x3FD2] =	sst s25  }
0xb5: {  	s6 =	sshll.u32 s26, $0x1;
	_ =	strace $0x8000004C;
	[dreg:$0x1] =	wrdreg $0xFFFFFFFF  }
0xb6: {  	s28 =	simm.s32 $_size_execute0_lowered;
	s4 =	sadd.s32 s4, s6;
	[dreg:$0x0] =	wrdreg $0x0  }
0xb7: {  	s6 =	sshll.u32 s28, $0x1;
	[dreg:$0x2] =	wrdreg s4  }
0xb8: {  	[dreg:$0x3] =	wrdreg s6  }
0xb9: {  	[dreg:$0x4] =	wrdreg $0xC0  }
0xba: {  	_ =	task [dreg:s22], $0x5FFFF  }
0xbb: {  	[dreg:$0x1] =	wrdreg $0xFFFFFFFF  }
0xbc: {  	[dreg:$0x0] =	wrdreg $0x60  }
0xbd: {  	[dreg:$0x2] =	wrdreg s18  }
0xbe: {  	[dreg:$0x3] =	wrdreg s24  }
0xbf: {  	[dreg:$0x4] =	wrdreg $0x0  }
0xc0: {  	[dreg:$0x5] =	wrdreg $0xA  }
0xc1: {  	_ =	task.clear_ibuf [dreg:s22], $0x6FFFF;
	_ =	strace $0x9000004C  }
0xc2: {  	s29 =	simm.s32 $0xA;
	_ =	strace $0x8000004E  }
0xc3: {  	_ =	swait.ge [sflag:s29], $0x1  }
0xc4: {  	[sflag:s29] =	ssyncadd.s32 $0xFFFFFFFF  }
0xc5: {  	_ =	strace $0x9000004E  }
0xc6: {  	_ =	sfence  }
0xc7: {  	s30 =	sld [smem:$0x0];
	_ =	sdelay $0x2  }
0xc8: {  	s31 =	sshll.u32 s1, $0xD;
	s1 =	sshrl.u32 s1, $0x2  }
0xc9: {  	s4 =	sand.u32 $0x4000, s31;
	s1 =	sadd.s32 s1, s30  }
0xca: {  	s0 =	sor.u32 s4, s0;
	s1 =	sshll.u32 s1, $0x11  }
0xcb: {  	s0 =	sor.u32 s1, s0  }
0xcc: {  	s0 =	sadd.s32 $0x8F2B, s0  }
0xcd: {  	[sflag:s0] =	ssyncadd.remote.s32 $0x1  }
0xce: {  	_ =	sfence.sel $0xFFFF  }
0xcf: {  	[dreg:$0x0] =	wrdreg $0xFFFFFFFF;
	(pc) =	sbr.abs _section_cstart, $3  }
0xd0: {  	[dreg:$0x1] =	wrdreg $0xFFFFFFFF  }
0xd1: {  	_ =	task.clear_ibuf [dreg:s22], $0x2FFFF;
	_ =	strace $0x9FFFFFFF  }
0xd2: {  	(tm) =	ssettm $0x7FFFFFFF  }
0xd3: {  	_ =	shalt  }
tec
execute0_lowered:
.L_overlay_start_1:
0x0: {  	(tag) =	ssettag $0x1  }
0x1: {  	s1 =	rddreg [dreg:$0x0]  }
0x2: {  	s0 =	rddreg [dreg:$0x1]  }
0x3: {  	s2 =	rddreg [dreg:$0x2];
	s3 =	srdreg.scid  }
0x4: {  	s4 =	simm.s32 $0x0;
	s16 =	stileid.u32;
	s28 =	simm.s32 $0x1D000  }
0x5: {  	s29 =	simm.s32 $0x4;
	s31 =	simm.s32 $0x18000;
	s30 =	simm.s32 $0x50  }
0x6: {  	s3 =	sand.u32 $0x1, s3;
	s5 =	sadd.s32 $0x11A00, s0;
	s9 =	smul.u32 $0x14000, s16  }
0x7: {  	s7 =	sshll.u32 s16, $0x1;
	s10 =	sadd.s32 $0x569000, s0;
	s16 =	smul.u32 $0x50000, s16  }
0x8: {  	[smem:$0x7FF] =	sst s4;
	s6 =	ssub.s32 $0x2, s3;
	s7 =	sor.u32 s3, s7  }
0x9: {  	s3 =	smul.u32 $0x140000, s3;
	s8 =	sshrl.u32 s6, $0x1;
	s11 =	sadd.s32 $0x5000, s9  }
0xa: {  	s12 =	smul.u32 $0x138800, s7;
	s13 =	sadd.s32 $0x7800, s9;
	s14 =	sadd.s32 $0xA000, s9  }
0xb: {  	s20 =	sadd.s32 $0xC800, s9;
	s21 =	sadd.s32 $0xF000, s9;
	s22 =	sadd.s32 $0x11800, s9  }
0xc: {  	p0 =	seq.s32 s7, $0x0;
	p1 =	sne.s32 s7, $0x0;
	s6 =	ssub.s32 s6, s8  }
0xd: {  	s8 =	sor.u32 $0x2800, s9;
	s9 =	sadd.s32 s9, s3;
	s26 =	sadd.s32 s3, s11  }
0xe: {  	s18 =	sadd.s32 s3, s13;
	s23 =	sadd.s32 s3, s14;
	s13 =	sadd.s32 s13, s2  }
0xf: {  	s14 =	sadd.s32 s14, s2;
	s15 =	sadd.s32 $0xFFEC7800, s12;
	s12 =	sadd.s32 $0xFFECA000, s12  }
0x10: {  	s9 =	sshrl.u32 s9, $0x3;
	s24 =	sadd.s32 s3, s8;
	s19 =	sshrl.u32 s18, $0x3  }
0x11: {  	s18 =	sshll.u32 s7, $0xB;
	s15 =	sshrl.u32 s15, $0x3;
	s12 =	sshrl.u32 s12, $0x3  }
0x12: {  	s9 =	sadd.s32 s10, s9;
	s25 =	sshrl.u32 s24, $0x3;
	s24 =	sshrl.u32 s23, $0x3  }
0x13: {  	s23 =	sadd.s32 s8, s2;
	s8 =	simm.s32 $0x3;
	s15 =	sadd.s32 s1, s15  }
0x14: {  	s17 =	sadd.s32 s1, s12;
	[dreg:$0x6] =	wrdreg s9;
	s9 =	sadd.s32 s10, s25  }
0x15: {  	s12 =	sshrl.u32 s26, $0x3;
	s25 =	sadd.s32 s3, s20;
	s26 =	sadd.s32 s3, s21  }
0x16: {  	s3 =	sadd.s32 s3, s22;
	s22 =	sadd.s32 s22, s2;
	[dreg:$0x7] =	wrdreg s9  }
0x17: {  	s9 =	sadd.s32 s10, s12;
	s15 =	smov.u32 @p0 s5;
	s5 =	sshrl.u32 s26, $0x3  }
0x18: {  	s3 =	sshrl.u32 s3, $0x3;
	s26 =	sadd.s32 s20, s2;
	[dreg:$0x8] =	wrdreg s9  }
0x19: {  	s20 =	sadd.s32 s21, s2;
	s9 =	sadd.s32 s10, s19;
	[dreg:$0x4] =	wrdreg s15  }
0x1a: {  	s21 =	smax.u32 s6, $0x1;
	s5 =	sadd.s32 s10, s5;
	[dreg:$0x9] =	wrdreg s9  }
0x1b: {  	s15 =	sshrl.u32 s25, $0x3;
	s3 =	sadd.s32 s10, s3;
	[dreg:$0xc] =	wrdreg s5  }
0x1c: {  	s25 =	sadd.s32 s11, s2;
	s9 =	sadd.s32 s10, s24;
	[dreg:$0xd] =	wrdreg s3  }
0x1d: {  	s19 =	smul.u32 $0x2710, s7;
	[dreg:$0xa] =	wrdreg s9;
	s9 =	sadd.s32 s10, s15  }
0x1e: {  	s7 =	simm.s32 $0x2;
	[dreg:$0xb] =	wrdreg s9;
	s9 =	sadd.s32 $0x11F00, s0  }
0x1f: {  	s5 =	sadd.s32 s18, s0;
	s3 =	simm.s32 $0x1;
	s17 =	smov.u32 @p0 s9  }
0x20: {  	s5 =	sadd.s32 $0x1A00, s5;
	s24 =	sadd.s32 $0xFFFFD8F0, s19;
	[dreg:$0x5] =	wrdreg s17  }
0x21: {  	s17 =	sshrl.u32 s16, $0x2;
	_ =	strace $0x8000004D;
	[dreg:$0xe] =	wrdreg s20  }
0x22: {  	s9 =	simm.s32 $0x0;
	s15 =	sadd.s32 s17, s2;
	[dreg:$0xf] =	wrdreg s5  }
0x23: {  	v0 =	vimm.f32 $0.0e+00;
	[dreg:$0x10] =	wrdreg s21;
	s5 =	sadd.s32 $0x12E00, s0;
	s0 =	simm.s32 $0x1A800  }
.LBB2_1:
0x24: {  	s6 =	sand.u32 $0xFE00, s4  }
0x25: {  	s10 =	sand.u32 $0x70, s4;
	s11 =	sshrl.u32 s6, $0x2  }
0x26: {  	s6 =	simm.s32 $0x40;
	s11 =	sor.u32 s10, s11;
	s10 =	simm.s32 $0x0  }
.LBB2_2:
0x27: {  	p2 =	sne.s32 s6, $0x9FC0  }
0x28: {  	[tilespmem:s11+$0x1D000] =	vst v0;
	s10 =	sadd.s32 $0x10, s10;
	s11 =	smov.u32 s6;
	s6 =	sadd.s32 $0x40, s6  }
.Ltmp0:
0x29: {  	(pc) =	sbr.rel @p2 .LBB2_2-.Ltmp0, $4  }
0x2a: {  	_ = 	snop  }
0x2b: {  	s11 =	sand.u32 $0xFE00, s11  }
0x2c: {  	s12 =	sand.u32 $0x70, s10;
	s11 =	sshrl.u32 s11, $0x2  }
0x2d: {  	s11 =	sor.u32 s12, s11  }
0x2e: {  	[tilespmem:s11+$0x1D000] =	vst v0  }
0x2f: {  	[spmem:s15] =	stream.linear.scatter [tilespmem:s28], [sflag:$0x4], $0x2800, $0x38;
	[tilespmem:$0x1F800] =	vst v63  }
0x30: {  	_ =	swait.ge [sflag:s29], $0x2800  }
0x31: {  	[sflag:s29] =	ssyncset.done $0x0  }
0x32: {  	[sflag:s29] =	ssyncadd.s32 $0xFFFFD800  }
0x33: {  	[spmem:s23] =	stream.linear.scatter [tilespmem:s28], [sflag:$0x4], $0x2800, $0x38;
	[tilespmem:$0x1F800] =	vst v63  }
0x34: {  	_ =	swait.ge [sflag:s29], $0x2800  }
0x35: {  	[sflag:s29] =	ssyncset.done $0x0  }
0x36: {  	[sflag:s29] =	ssyncadd.s32 $0xFFFFD800  }
0x37: {  	[spmem:s25] =	stream.linear.scatter [tilespmem:s28], [sflag:$0x4], $0x2800, $0x38;
	[tilespmem:$0x1F800] =	vst v63  }
0x38: {  	_ =	swait.ge [sflag:s29], $0x2800  }
0x39: {  	[sflag:s29] =	ssyncset.done $0x0  }
0x3a: {  	[sflag:s29] =	ssyncadd.s32 $0xFFFFD800  }
0x3b: {  	[spmem:s13] =	stream.linear.scatter [tilespmem:s28], [sflag:$0x4], $0x2800, $0x38;
	[tilespmem:$0x1F800] =	vst v63  }
0x3c: {  	_ =	swait.ge [sflag:s29], $0x2800  }
0x3d: {  	[sflag:s29] =	ssyncset.done $0x0  }
0x3e: {  	[sflag:s29] =	ssyncadd.s32 $0xFFFFD800  }
0x3f: {  	[spmem:s14] =	stream.linear.scatter [tilespmem:s28], [sflag:$0x4], $0x2800, $0x38;
	[tilespmem:$0x1F800] =	vst v63  }
0x40: {  	_ =	swait.ge [sflag:s29], $0x2800  }
0x41: {  	[sflag:s29] =	ssyncset.done $0x0  }
0x42: {  	[sflag:s29] =	ssyncadd.s32 $0xFFFFD800  }
0x43: {  	[spmem:s26] =	stream.linear.scatter [tilespmem:s28], [sflag:$0x4], $0x2800, $0x38;
	[tilespmem:$0x1F800] =	vst v63  }
0x44: {  	_ =	swait.ge [sflag:s29], $0x2800  }
0x45: {  	[sflag:s29] =	ssyncset.done $0x0  }
0x46: {  	s6 =	rddreg [dreg:$0xe];
	[sflag:s29] =	ssyncadd.s32 $0xFFFFD800  }
0x47: {  	[spmem:s6] =	stream.linear.scatter [tilespmem:s28], [sflag:$0x4], $0x2800, $0x38;
	[tilespmem:$0x1F800] =	vst v63  }
0x48: {  	_ =	swait.ge [sflag:s29], $0x2800  }
0x49: {  	[sflag:s29] =	ssyncset.done $0x0  }
0x4a: {  	[sflag:s29] =	ssyncadd.s32 $0xFFFFD800  }
0x4b: {  	[spmem:s22] =	stream.linear.scatter [tilespmem:s28], [sflag:$0x4], $0x2800, $0x38;
	[tilespmem:$0x1F800] =	vst v63  }
0x4c: {  	s20 =	smov.u32 s14;
	s14 =	simm.s32 $0x0;
	_ =	swait.ge [sflag:s29], $0x2800  }
0x4d: {  	s16 =	smov.u32 s15;
	s15 =	smul.u32 $0x3, s14;
	[sflag:s29] =	ssyncset.done $0x0  }
0x4e: {  	[sflag:s29] =	ssyncadd.s32 $0xFFFFD800  }
0x4f: {  	s19 =	smov.u32 s13;
	s11 =	sadd.s32 $0x2, s15;
	[bflag:$0x0] =	sbarrier.arrive $0xFFFF  }
0x50: {  	s10 =	simm.s32 $0x14000;
	s11 =	smul.u32 @p1 $0x50, s11;
	s13 =	rddreg [dreg:$0xf]  }
0x51: {  	[tilespmem:s10], [sflag:$0x4] =	stream.linear.gather [hbm4b:s13+s4], $0x3E80, $0x38;
	[tilespmem:$0x1F800] =	vst v63  }
0x52: {  	_ =	swait.ge [sflag:s29], $0x3E80  }
0x53: {  	s17 =	smov.u32 s23;
	s11 =	sadd.s32 @p1 s11, s24;
	[sflag:s29] =	ssyncset.done $0x0  }
0x54: {  	s6 =	sadd.s32 $0x3, s15;
	s23 =	rddreg [dreg:$0x4];
	[sflag:s29] =	ssyncadd.s32 $0xFFFFC180  }
0x55: {  	[tilespmem:s31], [sflag:$0x1] =	stream.linear.gather [hbm4b:s23+s14], $0x2800, $0x38;
	[tilespmem:$0x1F800] =	vst v63  }
0x56: {  	s11 =	sshll.u32 @p1 s11, $0x4;
	s6 =	smul.u32 @p1 $0x50, s6;
	s12 =	rddreg [dreg:$0x5]  }
0x57: {  	[tilespmem:s0], [sflag:$0x2] =	stream.linear.gather [hbm4b:s12+s14], $0x2800, $0x38;
	[tilespmem:$0x1F800] =	vst v63  }
0x58: {  	s18 =	smov.u32 s25;
	s11 =	sadd.s32 @p1 s1, s11;
	s12 =	sadd.s32 @!p1 $0xFFFFF600, s5  }
0x59: {  	s21 =	smov.u32 s26;
	s6 =	sadd.s32 @p1 s6, s24;
	s12 =	smov.u32 @p1 s11  }
0x5a: {  	[tilespmem:s28], [sflag:$0x3] =	stream.linear.gather [hbm4b:s12+s4], $0x2800, $0x38;
	[tilespmem:$0x1F800] =	vst v63  }
0x5b: {  	s26 =	simm.s32 $0x14000;
	s6 =	sshll.u32 @p1 s6, $0x4;
	_ =	swait.ge [sflag:s3], $0x2800  }
0x5c: {  	s6 =	sadd.s32 @p1 s1, s6;
	s13 =	sadd.s32 @!p1 $0xFFFFFB00, s5;
	[sflag:s3] =	ssyncset.done $0x0  }
0x5d: {  	s10 =	smul.u32 $0x50, s15;
	s13 =	smov.u32 @p1 s6;
	[sflag:s3] =	ssyncadd.s32 $0xFFFFD800  }
0x5e: {  	[spmem:s2] =	stream.indirect.scatter.add.f32 [tilespmem:s31], [sflag:$0x4], $0x80, s26, s30, $0xb8;
	[tilespmem:$0x1F800] =	vst v63  }
0x5f: {  	s6 =	sadd.s32 $0xF00, s5;
	s25 =	sadd.s32 s24, s10;
	_ =	swait.ge [sflag:s29], $0x2800  }
0x60: {  	s10 =	simm.s32 $0x600;
	s11 =	sshll.u32 s25, $0x4;
	[sflag:s29] =	ssyncset.done $0x0  }
0x61: {  	s14 =	simm.s32 $0x14080;
	s11 =	sadd.s32 s1, s11;
	[sflag:s29] =	ssyncadd.s32 $0xFFFFD800  }
0x62: {  	[tilespmem:s31], [sflag:$0x1] =	stream.linear.gather [hbm4b:s13+s4], $0x2800, $0x38;
	[tilespmem:$0x1F800] =	vst v63  }
0x63: {  	s12 =	sadd.s32 $0x1400, s11;
	s11 =	simm.s32 $0x1;
	_ =	swait.ge [sflag:s7], $0x2800  }
0x64: {  	s26 =	smov.u32 s5;
	s13 =	simm.s32 $0x0;
	[sflag:s7] =	ssyncset.done $0x0  }
.LBB2_4:
0x65: {  	s23 =	smul.u32 $0x3, s11;
	[sflag:s7] =	ssyncadd.s32 $0xFFFFD800  }
0x66: {  	s12 =	smov.u32 @p0 s26;
	s25 =	smov.u32 s10;
	s26 =	smov.u32 s6  }
0x67: {  	[spmem:s2] =	stream.indirect.scatter.add.f32 [tilespmem:s0], [sflag:$0x4], $0x80, s14, s30, $0xb8;
	[tilespmem:$0x1F800] =	vst v63  }
0x68: {  	s14 =	sadd.s32 $0x3, s23;
	s15 =	smul.u32 $0x50, s23;
	_ =	swait.ge [sflag:s29], $0x2800  }
0x69: {  	s23 =	sadd.s32 $0x2, s23;
	s14 =	smul.u32 @p1 $0x50, s14;
	[sflag:s29] =	ssyncset.done $0x0  }
0x6a: {  	s13 =	sadd.s32 $0x14100, s13;
	s23 =	smul.u32 @p1 $0x50, s23;
	[sflag:s29] =	ssyncadd.s32 $0xFFFFD800  }
0x6b: {  	[tilespmem:s0], [sflag:$0x2] =	stream.linear.gather [hbm4b:s12+s4], $0x2800, $0x38;
	[tilespmem:$0x1F800] =	vst v63  }
0x6c: {  	s12 =	sadd.s32 @p1 s23, s24;
	s14 =	sadd.s32 @p1 s14, s24;
	_ =	swait.ge [sflag:s8], $0x2800  }
0x6d: {  	s12 =	sshll.u32 @p1 s12, $0x4;
	s14 =	sshll.u32 @p1 s14, $0x4;
	[sflag:s8] =	ssyncset.done $0x0  }
0x6e: {  	s12 =	sadd.s32 @p1 s1, s12;
	s23 =	sadd.s32 @p1 s1, s14;
	[sflag:s8] =	ssyncadd.s32 $0xFFFFD800  }
0x6f: {  	[spmem:s2] =	stream.indirect.scatter.add.f32 [tilespmem:s28], [sflag:$0x4], $0x80, s13, s30, $0xb8;
	[tilespmem:$0x1F800] =	vst v63  }
0x70: {  	s10 =	sadd.s32 $0x600, s10;
	s13 =	sadd.s32 s24, s15;
	_ =	swait.ge [sflag:s29], $0x2800  }
0x71: {  	s14 =	sadd.s32 @!p1 $0xFFFFF600, s6;
	s13 =	sshll.u32 s13, $0x4;
	[sflag:s29] =	ssyncset.done $0x0  }
0x72: {  	s14 =	smov.u32 @p1 s12;
	s12 =	sadd.s32 s1, s13;
	[sflag:s29] =	ssyncadd.s32 $0xFFFFD800  }
0x73: {  	[tilespmem:s28], [sflag:$0x3] =	stream.linear.gather [hbm4b:s14+s4], $0x2800, $0x38;
	[tilespmem:$0x1F800] =	vst v63  }
0x74: {  	p2 =	sne.s32 s10, $0xF600;
	s12 =	sadd.s32 $0x1400, s12;
	_ =	swait.ge [sflag:s3], $0x2800  }
0x75: {  	s13 =	sshra.s32 s25, $0x2;
	[sflag:s3] =	ssyncset.done $0x0  }
0x76: {  	s15 =	sadd.s32 $0x14000, s13;
	s14 =	sadd.s32 $0x14080, s13;
	[sflag:s3] =	ssyncadd.s32 $0xFFFFD800  }
0x77: {  	[spmem:s2] =	stream.indirect.scatter.add.f32 [tilespmem:s31], [sflag:$0x4], $0x80, s15, s30, $0xb8;
	[tilespmem:$0x1F800] =	vst v63  }
0x78: {  	_ =	swait.ge [sflag:s29], $0x2800  }
.Ltmp1:
0x79: {  	s15 =	sadd.s32 @!p1 $0xFFFFFB00, s6;
	[sflag:s29] =	ssyncset.done $0x0;
	(pc) =	sbr.rel @p2 .LBB2_4-.Ltmp1, $4  }
0x7a: {  	s15 =	smov.u32 @p1 s23;
	[sflag:s29] =	ssyncadd.s32 $0xFFFFD800  }
0x7b: {  	[tilespmem:s31], [sflag:$0x1] =	stream.linear.gather [hbm4b:s15+s4], $0x2800, $0x38;
	[tilespmem:$0x1F800] =	vst v63  }
0x7c: {  	_ =	swait.ge [sflag:s7], $0x2800  }
0x7d: {  	s11 =	sadd.s32 $0x1, s11;
	s6 =	sadd.s32 $0xF00, s6;
	[sflag:s7] =	ssyncset.done $0x0  }
0x7e: {  	[sflag:s7] =	ssyncadd.s32 $0xFFFFD800  }
0x7f: {  	[spmem:s2] =	stream.indirect.scatter.add.f32 [tilespmem:s0], [sflag:$0x4], $0x80, s14, s30, $0xb8;
	[tilespmem:$0x1F800] =	vst v63  }
0x80: {  	_ =	swait.ge [sflag:s29], $0x2800  }
0x81: {  	[sflag:s29] =	ssyncset.done $0x0  }
0x82: {  	s12 =	smov.u32 @p0 s26;
	[sflag:s29] =	ssyncadd.s32 $0xFFFFD800  }
0x83: {  	[tilespmem:s0], [sflag:$0x2] =	stream.linear.gather [hbm4b:s12+s4], $0x2800, $0x38;
	[tilespmem:$0x1F800] =	vst v63  }
0x84: {  	_ =	swait.ge [sflag:s8], $0x2800  }
0x85: {  	[sflag:s8] =	ssyncset.done $0x0  }
0x86: {  	s6 =	sadd.s32 $0x14100, s13;
	[sflag:s8] =	ssyncadd.s32 $0xFFFFD800  }
0x87: {  	[spmem:s2] =	stream.indirect.scatter.add.f32 [tilespmem:s28], [sflag:$0x4], $0x80, s6, s30, $0xb8;
	[tilespmem:$0x1F800] =	vst v63  }
0x88: {  	_ =	swait.ge [sflag:s29], $0x2800  }
0x89: {  	[sflag:s29] =	ssyncset.done $0x0  }
0x8a: {  	[sflag:s29] =	ssyncadd.s32 $0xFFFFD800  }
0x8b: {  	_ =	swait.ge [sflag:s3], $0x2800  }
0x8c: {  	[sflag:s3] =	ssyncset.done $0x0  }
0x8d: {  	s10 =	simm.s32 $0x17D80;
	[sflag:s3] =	ssyncadd.s32 $0xFFFFD800  }
0x8e: {  	[spmem:s2] =	stream.indirect.scatter.add.f32 [tilespmem:s31], [sflag:$0x4], $0x80, s10, s30, $0xb8;
	[tilespmem:$0x1F800] =	vst v63  }
0x8f: {  	_ =	swait.ge [sflag:s29], $0x2800  }
0x90: {  	[sflag:s29] =	ssyncset.done $0x0  }
0x91: {  	[sflag:s29] =	ssyncadd.s32 $0xFFFFD800  }
0x92: {  	_ =	swait.ge [sflag:s7], $0x2800  }
0x93: {  	[sflag:s7] =	ssyncset.done $0x0  }
0x94: {  	s11 =	simm.s32 $0x17E00;
	[sflag:s7] =	ssyncadd.s32 $0xFFFFD800  }
0x95: {  	[spmem:s2] =	stream.indirect.scatter.add.f32 [tilespmem:s0], [sflag:$0x4], $0x80, s11, s30, $0xb8;
	[tilespmem:$0x1F800] =	vst v63  }
0x96: {  	_ =	swait.ge [sflag:s29], $0x2800  }
0x97: {  	[sflag:s29] =	ssyncset.done $0x0  }
0x98: {  	s12 =	stileid.u32;
	[sflag:s29] =	ssyncadd.s32 $0xFFFFD800  }
0x99: {  	s6 =	sshll.u32 s12, $0x6;
	[bflag:$0x0] =	sbarrier.arrive $0xFFFF  }
0x9a: {  	s6 =	sor.u32 $0x1C04, s6;
	s10 =	sshrl.u32 s16, $0x3;
	s11 =	rddreg [dreg:$0x6]  }
0x9b: {  	[hbm:s11], [sflag:s6] =	dma.local [spmem:s10], $0x500  }
0x9c: {  	_ =	swait.ge [sflag:s29], $0x500  }
0x9d: {  	[sflag:s29] =	ssyncset.done $0x0  }
0x9e: {  	s13 =	sshrl.u32 s17, $0x3;
	s14 =	rddreg [dreg:$0x7];
	[sflag:s29] =	ssyncadd.s32 $0xFFFFFB00  }
0x9f: {  	[hbm:s14], [sflag:s6] =	dma.local [spmem:s13], $0x500  }
0xa0: {  	_ =	swait.ge [sflag:s29], $0x500  }
0xa1: {  	s15 =	smov.u32 s16;
	s23 =	smov.u32 s17;
	[sflag:s29] =	ssyncset.done $0x0  }
0xa2: {  	s16 =	sshrl.u32 s18, $0x3;
	s17 =	rddreg [dreg:$0x8];
	[sflag:s29] =	ssyncadd.s32 $0xFFFFFB00  }
0xa3: {  	[hbm:s17], [sflag:s6] =	dma.local [spmem:s16], $0x500  }
0xa4: {  	_ =	swait.ge [sflag:s29], $0x500  }
0xa5: {  	s25 =	smov.u32 s18;
	s18 =	sshrl.u32 s19, $0x3;
	[sflag:s29] =	ssyncset.done $0x0  }
0xa6: {  	s13 =	smov.u32 s19;
	s19 =	rddreg [dreg:$0x9];
	[sflag:s29] =	ssyncadd.s32 $0xFFFFFB00  }
0xa7: {  	[hbm:s19], [sflag:s6] =	dma.local [spmem:s18], $0x500  }
0xa8: {  	_ =	swait.ge [sflag:s29], $0x500  }
0xa9: {  	s14 =	smov.u32 s20;
	[sflag:s29] =	ssyncset.done $0x0  }
0xaa: {  	s20 =	sshrl.u32 s20, $0x3;
	s26 =	rddreg [dreg:$0xa];
	[sflag:s29] =	ssyncadd.s32 $0xFFFFFB00  }
0xab: {  	[hbm:s26], [sflag:s6] =	dma.local [spmem:s20], $0x500  }
0xac: {  	_ =	swait.ge [sflag:s29], $0x500  }
0xad: {  	[sflag:s29] =	ssyncset.done $0x0  }
0xae: {  	s12 =	sshrl.u32 s21, $0x3;
	s16 =	rddreg [dreg:$0xb];
	[sflag:s29] =	ssyncadd.s32 $0xFFFFFB00  }
0xaf: {  	[hbm:s16], [sflag:s6] =	dma.local [spmem:s12], $0x500  }
0xb0: {  	_ =	swait.ge [sflag:s29], $0x500  }
0xb1: {  	[sflag:s29] =	ssyncset.done $0x0;
	s17 =	rddreg [dreg:$0xe]  }
0xb2: {  	s18 =	rddreg [dreg:$0xc];
	[sflag:s29] =	ssyncadd.s32 $0xFFFFFB00;
	s10 =	sshrl.u32 s17, $0x3  }
0xb3: {  	[hbm:s18], [sflag:s6] =	dma.local [spmem:s10], $0x500  }
0xb4: {  	_ =	swait.ge [sflag:s29], $0x500  }
0xb5: {  	[sflag:s29] =	ssyncset.done $0x0  }
0xb6: {  	s19 =	sshrl.u32 s22, $0x3;
	s20 =	rddreg [dreg:$0xd];
	[sflag:s29] =	ssyncadd.s32 $0xFFFFFB00  }
0xb7: {  	[hbm:s20], [sflag:s6] =	dma.local [spmem:s19], $0x500  }
0xb8: {  	_ =	swait.ge [sflag:s29], $0x500  }
0xb9: {  	s9 =	sadd.s32 $0x1, s9;
	s26 =	smov.u32 s21;
	s21 =	rddreg [dreg:$0x10]  }
0xba: {  	p2 =	sne.s32 s9, s21  }
.Ltmp2:
0xbb: {  	_ = 	snop;
	(pc) =	sbr.rel @p2 .LBB2_1-.Ltmp2, $3  }
0xbc: {  	_ =	sdelay $0x1  }
0xbd: {  	[sflag:s29] =	ssyncset.done $0x0  }
0xbe: {  	[sflag:s29] =	ssyncadd.s32 $0xFFFFFB00  }
0xbf: {  	_ =	sfence.sel $0x180000  }
0xc0: {  	[bflag:$0x0] =	sbarrier.arrive $0xFFFF  }
0xc1: {  	_ =	strace $0x9000004D  }
0xc2: {  	s0 =	stileid.u32;
	[bflag:$0x2] =	sbarrier.arrive $0xFFFF  }
0xc3: {  	p0 =	sne.s32 s0, $0x0;
	s0 =	rddreg [dreg:$0x3]  }
0xc4: {  	s0 =	sadd.s32 @!p0 $0x100000, s0  }
0xc5: {  	[sflag:s0] =	ssyncadd.tile.s32 @!p0 $0x1;
	_ =	shalt  }
.Lfunc_end2:
_tile_overlayer_lowered:
.L_overlay_start_2:
0xc6: {  	(tag) =	ssettag $0x2  }
0xc7: {  	s0 =	rddreg [dreg:$0x0];
	s2 =	stileid.u32  }
0xc8: {  	s1 =	rddreg [dreg:$0x1];
	p0 =	sne.s32 s2, $0x0  }
0xc9: {  	s3 =	rddreg [dreg:$0x2];
	[bflag:$0x3] =	sbarrier.arrive $0xFFFF;
	s2 =	simm.s32 @!p0 $0x1C04  }
0xca: {  	[timem:s3], [sflag:s2] =	dma.local @!p0 [hbm:s0], s1  }
0xcb: {  	s0 =	simm.s32 @!p0 $0x4  }
0xcc: {  	_ =	swait.ge @!p0 [sflag:s0], s1  }
0xcd: {  	s1 =	ssub.s32 @!p0 $0x0, s1;
	[sflag:s0] =	ssyncset.done @!p0 $0x0  }
0xce: {  	[sflag:s0] =	ssyncadd.s32 @!p0 s1  }
0xcf: {  	[bflag:$0x3] =	sbarrier.arrive $0xFFFF  }
0xd0: {  	_ =	shalt  }

// kernel: kernel.8.cloned.1.call-start
scs
__scs_entry_jumppad:
0x0: {  	(pc) =	sbr.rel $0x88, $3  }
0x1: {  	(tag) =	ssettag $0x0;
	lr =	simm.s32 $0x1  }
0x2: {  	[smem:$0x3F9C] =	sst lr;
	_ =	strace $0xD0000000  }
0x3: {  	_ = 	snop  }
0x4: {  	_ = 	snop  }
0x5: {  	_ = 	snop  }
0x6: {  	_ = 	snop  }
0x7: {  	_ = 	snop  }
__scs_overlays_trampoline_lowered:
0x8: {  	[smem:$0x3FAB] =	sst s0  }
0x9: {  	[smem:$0x3FAC] =	sst s1  }
0xa: {  	[smem:$0x3FAD] =	sst s2  }
0xb: {  	[smem:$0x3FAE] =	sst s3  }
0xc: {  	[smem:$0x3FAF] =	sst s4  }
0xd: {  	[smem:$0x3FB0] =	sst s5  }
0xe: {  	[smem:$0x3FB1] =	sst s6  }
0xf: {  	[smem:$0x3FB2] =	sst s7  }
0x10: {  	[smem:$0x3FB3] =	sst s8  }
0x11: {  	[smem:$0x3FB4] =	sst s9;
	s0 =	simm.s32 @!p0 $0x0  }
0x12: {  	s1 =	sld [smem:$0x3F9A];
	s0 =	simm.s32 @p0 $0x1  }
0x13: {  	[smem:$0x3FB5] =	sst s0;
	s0 =	simm.s32 @!p1 $0x0  }
0x14: {  	s2 =	sld [smem:$0x3F99];
	s0 =	simm.s32 @p1 $0x1  }
0x15: {  	[smem:$0x3FB6] =	sst s0;
	s0 =	simm.s32 @!p2 $0x0  }
0x16: {  	s3 =	sld [smem:$0x3FDB];
	s0 =	simm.s32 @p2 $0x1  }
0x17: {  	s4 =	simm.s32 $0x1BF5;
	[smem:$0x3FB8] =	sst s0  }
0x18: {  	s0 =	sld [smem:$0x3F9B];
	_ =	swait.ge [sflag:s4], $0x0  }
0x19: {  	s7 =	sld [smem:$0x3F9C]  }
0x1a: {  	s8 =	sadd.s32 $0xFFFFE003, lr  }
0x1b: {  	s9 =	sadd.s32 $0xFFFFFEF7, lr;
	s5 =	simm.s32 $0xFFFFFFFF;
	p2 =	slt.u32 s8, $0xFFFFF086  }
0x1c: {  	p1 =	slt.u32 s9, $0xF7A;
	s5 =	simm.s32 @!p2 $0x0  }
0x1d: {  	s5 =	simm.s32 @p1 $0x1;
	p0 =	seq.s32 s7, s2  }
0x1e: {  	s7 =	smul.u32 @!p0 $0xF7A, s2;
	p2 =	seq.s32 @!p0 s5, $0x0  }
0x1f: {  	s9 =	smul.u32 $0xF7A, s1;
	s8 =	simm.s32 @!p0 $0x1BF5;
	p2 =	por !p2, p0  }
0x20: {  	[sflag:s8] =	ssyncset.s32 @!p0 $0xFFFFF086;
	s6 =	sadd.s32 @!p0 s3, s7;
	s7 =	simm.s32 @!p0 $0x108  }
0x21: {  	s3 =	sadd.s32 s3, s9;
	s6 =	sadd.s32 @!p0 $0x88, s6;
	s7 =	simm.s32 @p2 $0x1082  }
0x22: {  	[simem:s7], [sflag:s8] =	dma.local @!p0 [hbm:s6], $0xF7A  }
0x23: {  	s9 =	sor.u32 $0xD0000000, s2;
	s6 =	simm.s32 $0x108;
	_ =	swait.ge @!p0 [sflag:s8], $0x0  }
0x24: {  	s3 =	sadd.s32 $0x88, s3;
	s6 =	simm.s32 @!p1 $0x1082;
	[sflag:s4] =	ssyncset.s32 $0xFFFFF086  }
0x25: {  	[simem:s6], [sflag:s4] =	dma.local [hbm:s3], $0xF7A  }
0x26: {  	[smem:$0x3F9C] =	sst s1;
	(tag) =	ssettag s2;
	_ =	strace s9  }
0x27: {  	s1 =	sld [smem:$0x3FAC]  }
0x28: {  	s2 =	sld [smem:$0x3FAD]  }
0x29: {  	s4 =	sld [smem:$0x3FAF]  }
0x2a: {  	p0 =	seq.s32 s5, $0x0;
	s5 =	sld [smem:$0x3FB0]  }
0x2b: {  	s6 =	sld [smem:$0x3FB1]  }
0x2c: {  	s7 =	sld [smem:$0x3FB2]  }
0x2d: {  	s3 =	simm.s32 $0x108;
	s8 =	sld [smem:$0x3FB3]  }
0x2e: {  	s3 =	simm.s32 @!p0 $0x1082;
	s9 =	sld [smem:$0x3FB4]  }
0x2f: {  	lr =	sadd.s32 s0, s3;
	s0 =	sld [smem:$0x3FAB]  }
0x30: {  	s3 =	sld [smem:$0x3FAE]  }
0x31: {  	[smem:$0x3FB7] =	sst s10  }
0x32: {  	s10 =	sld [smem:$0x3FB5];
	_ =	sdelay $0x3  }
0x33: {  	p0 =	seq.s32 s10, $0x1;
	s10 =	sld [smem:$0x3FB7];
	_ =	sdelay $0x3  }
0x34: {  	[smem:$0x3FB7] =	sst s10  }
0x35: {  	s10 =	sld [smem:$0x3FB6];
	_ =	sdelay $0x3  }
0x36: {  	p1 =	seq.s32 s10, $0x1;
	s10 =	sld [smem:$0x3FB7];
	_ =	sdelay $0x3  }
0x37: {  	[smem:$0x3FB7] =	sst s10  }
0x38: {  	s10 =	sld [smem:$0x3FB8]  }
0x39: {  	_ = 	snop;
	(pc) =	sbr.ind lr, $3  }
0x3a: {  	_ = 	snop  }
0x3b: {  	_ = 	snop  }
0x3c: {  	p2 =	seq.s32 s10, $0x1;
	s10 =	sld [smem:$0x3FB7]  }
0x3d: {  	_ =	shalt  }
0x3e: {  	_ =	shalt  }
0x3f: {  	_ =	shalt  }
0x40: {  	_ =	shalt  }
0x41: {  	_ =	shalt  }
0x42: {  	_ =	shalt  }
0x43: {  	_ =	shalt  }
0x44: {  	_ =	shalt  }
0x45: {  	_ =	shalt  }
0x46: {  	_ =	shalt  }
0x47: {  	_ =	shalt  }
0x48: {  	_ =	shalt  }
0x49: {  	_ =	shalt  }
0x4a: {  	_ =	shalt  }
0x4b: {  	_ =	shalt  }
0x4c: {  	_ =	shalt  }
0x4d: {  	_ =	shalt  }
0x4e: {  	_ =	shalt  }
0x4f: {  	_ =	shalt  }
0x50: {  	_ =	shalt  }
0x51: {  	_ =	shalt  }
0x52: {  	_ =	shalt  }
0x53: {  	_ =	shalt  }
0x54: {  	_ =	shalt  }
0x55: {  	_ =	shalt  }
0x56: {  	_ =	shalt  }
0x57: {  	_ =	shalt  }
0x58: {  	_ =	shalt  }
0x59: {  	_ =	shalt  }
0x5a: {  	_ =	shalt  }
0x5b: {  	_ =	shalt  }
0x5c: {  	_ =	shalt  }
0x5d: {  	_ =	shalt  }
0x5e: {  	_ =	shalt  }
0x5f: {  	_ =	shalt  }
0x60: {  	_ =	shalt  }
0x61: {  	_ =	shalt  }
0x62: {  	_ =	shalt  }
0x63: {  	_ =	shalt  }
0x64: {  	_ =	shalt  }
0x65: {  	_ =	shalt  }
0x66: {  	_ =	shalt  }
0x67: {  	_ =	shalt  }
0x68: {  	_ =	shalt  }
0x69: {  	_ =	shalt  }
0x6a: {  	_ =	shalt  }
0x6b: {  	_ =	shalt  }
0x6c: {  	_ =	shalt  }
0x6d: {  	_ =	shalt  }
0x6e: {  	_ =	shalt  }
0x6f: {  	_ =	shalt  }
0x70: {  	_ =	shalt  }
0x71: {  	_ =	shalt  }
0x72: {  	_ =	shalt  }
0x73: {  	_ =	shalt  }
0x74: {  	_ =	shalt  }
0x75: {  	_ =	shalt  }
0x76: {  	_ =	shalt  }
0x77: {  	_ =	shalt  }
0x78: {  	_ =	shalt  }
0x79: {  	_ =	shalt  }
0x7a: {  	_ =	shalt  }
0x7b: {  	_ =	shalt  }
0x7c: {  	_ =	shalt  }
0x7d: {  	_ =	shalt  }
0x7e: {  	_ =	shalt  }
0x7f: {  	_ =	shalt  }
0x80: {  	_ =	shalt  }
0x81: {  	_ =	shalt  }
0x82: {  	_ =	shalt  }
0x83: {  	_ =	shalt  }
0x84: {  	_ =	shalt  }
0x85: {  	_ =	shalt  }
0x86: {  	_ =	shalt  }
0x87: {  	_ =	shalt  }
.Lfunc_end0:
.L_simem_size_0:
called_computation_lowered:
.L_overlay_start_0:
0x88: {  	s2 =	sld [smem:$0x3FD9]  }
0x89: {  	s3 =	sld [smem:$0x3FFE];
	_ =	sdelay $0x1  }
0x8a: {  	s1 =	srdreg.scid  }
0x8b: {  	s0 =	sand.u32 $0x1, s1  }
0x8c: {  	s14 =	sshll.u32 s0, $0xA;
	s2 =	sadd.s32 s3, s2  }
0x8d: {  	s2 =	sadd.s32 s2, s14  }
0x8e: {  	[smem:$0x3FC3] =	sst s2  }
0x8f: {  	_ = 	snop  }
0x90: {  	s2 =	sld [smem:$0x3FD0];
	_ =	sdelay $0x2  }
0x91: {  	s15 =	simm.s32 $0xB;
	s4 =	simm.s32 $0x10  }
0x92: {  	[smem:s4], [sflag:s15] =	dma.local [hbm:s2], $0x1  }
0x93: {  	_ =	swait.eq [sflag:s15], $0x1  }
0x94: {  	[sflag:s15] =	ssyncset.done $0x0  }
0x95: {  	[sflag:s15] =	ssyncadd.s32 $0xFFFFFFFF  }
0x96: {  	s16 =	sld [smem:$0x10];
	(tm) =	ssettm $0x1  }
0x97: {  	s17 =	sld [smem:$0x3FFB];
	_ =	sdelay $0x3  }
0x98: {  	_ =	strace s17  }
0x99: {  	s3 =	sld [smem:$0x3FFC];
	_ =	sdelay $0x3  }
0x9a: {  	_ =	strace s3  }
0x9b: {  	s3 =	sld [smem:$0x3FFD];
	_ =	sdelay $0x3  }
0x9c: {  	_ =	strace s3  }
0x9d: {  	_ =	strace $0x8FFFFFFF  }
0x9e: {  	s18 =	sld [smem:$0x3FDB];
	_ =	sdelay $0x1  }
0x9f: {  	s19 =	simm.s32 $_scs_section_size  }
0xa0: {  	s5 =	simm.s32 $_size__tile_overlayer_lowered;
	s6 =	simm.s32 $_tile_overlayer_lowered  }
0xa1: {  	s22 =	simm.s32 $0x1BFF;
	s21 =	sshll.u32 s6, $0x1;
	s3 =	sadd.s32 s19, s18  }
0xa2: {  	s7 =	simm.s32 $0x0;
	s20 =	sshll.u32 s5, $0x1;
	s5 =	sadd.s32 s21, s3  }
0xa3: {  	[timem:s7], [sflag:s22] =	dma.local [hbm:s5], s20  }
0xa4: {  	_ =	swait.ge [sflag:s22], s20  }
0xa5: {  	s4 =	ssub.s32 $0x0, s20;
	[sflag:s22] =	ssyncset.done $0x0  }
0xa6: {  	[sflag:s22] =	ssyncadd.s32 s4;
	_ =	sdelay $0x1  }
0xa7: {  	s23 =	simm.s32 $0x1B8B  }
0xa8: {  	_ =	swait.ge [sflag:s23], $0x1  }
0xa9: {  	[sflag:s23] =	ssyncset.done $0x0  }
0xaa: {  	s25 =	simm.s32 $0x1B8E;
	s24 =	sld [smem:$0x3FFE];
	[sflag:s23] =	ssyncadd.s32 $0xFFFFFFFF  }
0xab: {  	s26 =	simm.s32 $execute0_lowered;
	[smem:$0x3FD2] =	sst s25  }
0xac: {  	s5 =	sshll.u32 s26, $0x1;
	_ =	strace $0x80000046;
	[dreg:$0x1] =	wrdreg $0xFFFFFFFF  }
0xad: {  	s28 =	simm.s32 $_size_execute0_lowered;
	s3 =	sadd.s32 s3, s5;
	[dreg:$0x0] =	wrdreg $0x0  }
0xae: {  	s5 =	sshll.u32 s28, $0x1;
	[dreg:$0x2] =	wrdreg s3  }
0xaf: {  	[dreg:$0x3] =	wrdreg s5  }
0xb0: {  	[dreg:$0x4] =	wrdreg $0xC0  }
0xb1: {  	_ =	task [dreg:s7], $0x5FFFF  }
0xb2: {  	[dreg:$0x1] =	wrdreg $0xFFFFFFFF  }
0xb3: {  	[dreg:$0x0] =	wrdreg $0x60  }
0xb4: {  	[dreg:$0x2] =	wrdreg s24  }
0xb5: {  	[dreg:$0x3] =	wrdreg s16  }
0xb6: {  	[dreg:$0x4] =	wrdreg $0x0  }
0xb7: {  	[dreg:$0x5] =	wrdreg $0x9  }
0xb8: {  	_ =	task.clear_ibuf [dreg:s7], $0x6FFFF;
	_ =	strace $0x90000046  }
0xb9: {  	s29 =	simm.s32 $0x9;
	_ =	strace $0x80000048  }
0xba: {  	_ =	swait.ge [sflag:s29], $0x1  }
0xbb: {  	[sflag:s29] =	ssyncadd.s32 $0xFFFFFFFF  }
0xbc: {  	_ =	strace $0x90000048  }
0xbd: {  	_ =	sfence  }
0xbe: {  	s30 =	sld [smem:$0x0];
	_ =	sdelay $0x2  }
0xbf: {  	s31 =	sshll.u32 s1, $0xD;
	s1 =	sshrl.u32 s1, $0x2  }
0xc0: {  	s3 =	sand.u32 $0x4000, s31;
	s1 =	sadd.s32 s1, s30  }
0xc1: {  	s0 =	sor.u32 s3, s0;
	s1 =	sshll.u32 s1, $0x11  }
0xc2: {  	s0 =	sor.u32 s1, s0  }
0xc3: {  	s0 =	sadd.s32 $0x8F2B, s0  }
0xc4: {  	[sflag:s0] =	ssyncadd.remote.s32 $0x1  }
0xc5: {  	_ =	sfence.sel $0xFFFF  }
0xc6: {  	[dreg:$0x0] =	wrdreg $0xFFFFFFFF;
	(pc) =	sbr.abs _section_cstart, $3  }
0xc7: {  	[dreg:$0x1] =	wrdreg $0xFFFFFFFF  }
0xc8: {  	_ =	task.clear_ibuf [dreg:s7], $0x2FFFF;
	_ =	strace $0x9FFFFFFF  }
0xc9: {  	(tm) =	ssettm $0x7FFFFFFF  }
tec
execute0_lowered:
.L_overlay_start_1:
0x0: {  	(tag) =	ssettag $0x1  }
0x1: {  	s4 =	rddreg [dreg:$0x0]  }
0x2: {  	s6 =	rddreg [dreg:$0x1]  }
0x3: {  	s1 =	rddreg [dreg:$0x2]  }
0x4: {  	s0 =	rddreg [dreg:$0x3];
	s2 =	simm.s32 $0x0  }
0x5: {  	s3 =	srdreg.scid;
	s11 =	simm.s32 $0x50;
	s12 =	simm.s32 $0x4280  }
0x6: {  	s15 =	simm.s32 $0x20;
	s16 =	simm.s32 $0x10;
	s17 =	simm.s32 $0x0  }
0x7: {  	[smem:$0x7FF] =	sst s2;
	s5 =	sand.u32 $0x1, s3;
	s3 =	stileid.u32  }
0x8: {  	_ =	strace $0x80000047;
	s7 =	sshll.u32 s5, $0xB;
	s8 =	smul.u32 $0x500, s3  }
0x9: {  	s28 =	ssub.s32 $0x2, s5;
	s10 =	smul.u32 $0xA00, s3;
	s5 =	sshll.u32 s5, $0x7  }
0xa: {  	s29 =	sshll.u32 s3, $0xC;
	s13 =	sshll.u32 s3, $0x6;
	s9 =	sshrl.u32 s28, $0x1  }
0xb: {  	s4 =	sadd.s32 s7, s4;
	s13 =	sor.u32 $0x1C01, s13;
	s7 =	ssub.s32 s28, s9  }
0xc: {  	s5 =	sor.u32 s5, s8;
	s30 =	sshrl.u32 s10, $0x2;
	s9 =	sadd.s32 s29, s4  }
0xd: {  	s8 =	simm.s32 $0x4300;
	s10 =	simm.s32 $0x280;
	s31 =	sshrl.u32 s5, $0x3  }
0xe: {  	s4 =	sadd.s32 s30, s1;
	s5 =	sadd.s32 $0x1A00, s9;
	s7 =	smax.u32 s7, $0x1  }
0xf: {  	v0 =	vimm.s32 $0x0;
	v1 =	vimm.s32 $0x1;
	s9 =	simm.s32 $0x1;
	s6 =	sadd.s32 s6, s31;
	s14 =	sshrl.u32 s4, $0x3  }
.LBB2_1:
0x10: {  	[tilespmem:$0x4300] =	vst v0  }
0x11: {  	[tilespmem:$0x4310] =	vst v0  }
0x12: {  	[tilespmem:$0x4320] =	vst v0  }
0x13: {  	[tilespmem:$0x4330] =	vst v0  }
0x14: {  	[tilespmem:$0x4340] =	vst v0  }
0x15: {  	[tilespmem:$0x4350] =	vst v0  }
0x16: {  	[tilespmem:$0x4360] =	vst v0  }
0x17: {  	[tilespmem:$0x4370] =	vst v0  }
0x18: {  	[tilespmem:$0x4380] =	vst v0  }
0x19: {  	[tilespmem:$0x4390] =	vst v0  }
0x1a: {  	[tilespmem:$0x43A0] =	vst v0  }
0x1b: {  	[tilespmem:$0x43B0] =	vst v0  }
0x1c: {  	[tilespmem:$0x43C0] =	vst v0  }
0x1d: {  	[tilespmem:$0x43D0] =	vst v0  }
0x1e: {  	[tilespmem:$0x43E0] =	vst v0  }
0x1f: {  	[tilespmem:$0x43F0] =	vst v0  }
0x20: {  	[tilespmem:$0x4400] =	vst v0  }
0x21: {  	[tilespmem:$0x4410] =	vst v0  }
0x22: {  	[tilespmem:$0x4420] =	vst v0  }
0x23: {  	[tilespmem:$0x4430] =	vst v0  }
0x24: {  	[tilespmem:$0x4440] =	vst v0  }
0x25: {  	[tilespmem:$0x4450] =	vst v0  }
0x26: {  	[tilespmem:$0x4460] =	vst v0  }
0x27: {  	[tilespmem:$0x4470] =	vst v0  }
0x28: {  	[tilespmem:$0x4480] =	vst v0  }
0x29: {  	[tilespmem:$0x4490] =	vst v0  }
0x2a: {  	[tilespmem:$0x44A0] =	vst v0  }
0x2b: {  	[tilespmem:$0x44B0] =	vst v0  }
0x2c: {  	[tilespmem:$0x44C0] =	vst v0  }
0x2d: {  	[tilespmem:$0x44D0] =	vst v0  }
0x2e: {  	[tilespmem:$0x44E0] =	vst v0  }
0x2f: {  	[tilespmem:$0x44F0] =	vst v0  }
0x30: {  	[tilespmem:$0x4500] =	vst v0  }
0x31: {  	[tilespmem:$0x4510] =	vst v0  }
0x32: {  	[tilespmem:$0x4520] =	vst v0  }
0x33: {  	[tilespmem:$0x4530] =	vst v0  }
0x34: {  	[tilespmem:$0x4540] =	vst v0  }
0x35: {  	[tilespmem:$0x4550] =	vst v0  }
0x36: {  	[tilespmem:$0x4560] =	vst v0  }
0x37: {  	[tilespmem:$0x4570] =	vst v0  }
0x38: {  	[tilespmem:$0x4280] =	vst v1  }
0x39: {  	[tilespmem:$0x4290] =	vst v1  }
0x3a: {  	[tilespmem:$0x42A0] =	vst v1  }
0x3b: {  	[tilespmem:$0x42B0] =	vst v1  }
0x3c: {  	[tilespmem:$0x42C0] =	vst v1  }
0x3d: {  	[spmem:s4] =	stream.linear.scatter [tilespmem:s8], [sflag:$0x1], $0x280, $0x38;
	[tilespmem:$0x4580] =	vst v63  }
0x3e: {  	_ =	swait.ge [sflag:s9], $0x280  }
0x3f: {  	[sflag:s9] =	ssyncset.done $0x0  }
0x40: {  	[sflag:s9] =	ssyncadd.s32 $0xFFFFFD80  }
0x41: {  	[bflag:$0x0] =	sbarrier.arrive $0xFFFF  }
0x42: {  	[tilespmem:s10], [sflag:$0x1] =	stream.linear.gather [hbm4b:s5+s2], $0x3E80, $0x38;
	[tilespmem:$0x4580] =	vst v63  }
0x43: {  	_ =	swait.ge [sflag:s9], $0x3E80  }
0x44: {  	[sflag:s9] =	ssyncset.done $0x0  }
0x45: {  	s18 =	simm.s32 $0x280;
	[sflag:s9] =	ssyncadd.s32 $0xFFFFC180  }
0x46: {  	[spmem:s1] =	stream.indirect.scatter.add.s32 [tilespmem:s12], [sflag:$0x1], $0x1, s18, s11, $0xb8;
	[tilespmem:$0x4580] =	vst v63  }
0x47: {  	s18 =	simm.s32 $0x200;
	_ =	swait.ge [sflag:s9], $0x50  }
.LBB2_2:
0x48: {  	s19 =	sshra.s32 s18, $0x2;
	[sflag:s9] =	ssyncset.done $0x0;
	p0 =	sne.s32 s18, $0xF800  }
.Ltmp0:
0x49: {  	s19 =	sadd.s32 $0x280, s19;
	[sflag:s9] =	ssyncadd.s32 $0xFFFFFFB0;
	(pc) =	sbr.rel @p0 .LBB2_2-.Ltmp0, $3  }
0x4a: {  	[spmem:s1] =	stream.indirect.scatter.add.s32 [tilespmem:s12], [sflag:$0x1], $0x1, s19, s11, $0xb8;
	[tilespmem:$0x4580] =	vst v63  }
0x4b: {  	s18 =	sadd.s32 $0x200, s18;
	_ =	sdelay $0x1  }
0x4c: {  	_ =	swait.ge [sflag:s9], $0x50  }
0x4d: {  	[sflag:s9] =	ssyncset.done $0x0;
	s17 =	sadd.s32 $0x1, s17  }
0x4e: {  	[sflag:s9] =	ssyncadd.s32 $0xFFFFFFB0;
	p0 =	sne.s32 s17, s7  }
.Ltmp1:
0x4f: {  	[bflag:$0x0] =	sbarrier.arrive $0xFFFF;
	(pc) =	sbr.rel @p0 .LBB2_1-.Ltmp1, $4  }
0x50: {  	[hbm:s6@s15], [sflag:s13] =	dma.strided [spmem:s14@s16], $0x50, s9, $0x10   }
0x51: {  	_ =	swait.ge [sflag:s9], $0x50  }
0x52: {  	[sflag:s9] =	ssyncset.done $0x0  }
0x53: {  	[sflag:s9] =	ssyncadd.s32 $0xFFFFFFB0  }
0x54: {  	_ =	sfence.sel $0x180000  }
0x55: {  	[bflag:$0x0] =	sbarrier.arrive $0xFFFF  }
0x56: {  	p0 =	sne.s32 s3, $0x0;
	_ =	strace $0x90000047  }
0x57: {  	s0 =	sadd.s32 @!p0 $0x100000, s0;
	[bflag:$0x2] =	sbarrier.arrive $0xFFFF  }
0x58: {  	[sflag:s0] =	ssyncadd.tile.s32 @!p0 $0x1;
	_ =	shalt  }
.Lfunc_end2:
_tile_overlayer_lowered:
.L_overlay_start_2:
0x59: {  	(tag) =	ssettag $0x2  }
0x5a: {  	s0 =	rddreg [dreg:$0x0];
	s2 =	stileid.u32  }
0x5b: {  	s1 =	rddreg [dreg:$0x1];
	p0 =	sne.s32 s2, $0x0  }
0x5c: {  	s3 =	rddreg [dreg:$0x2];
	[bflag:$0x3] =	sbarrier.arrive $0xFFFF;
	s2 =	simm.s32 @!p0 $0x1C01  }
0x5d: {  	[timem:s3], [sflag:s2] =	dma.local @!p0 [hbm:s0], s1  }
0x5e: {  	s0 =	simm.s32 @!p0 $0x1  }
0x5f: {  	_ =	swait.ge @!p0 [sflag:s0], s1  }
0x60: {  	s1 =	ssub.s32 @!p0 $0x0, s1;
	[sflag:s0] =	ssyncset.done @!p0 $0x0  }
0x61: {  	[sflag:s0] =	ssyncadd.s32 @!p0 s1  }
0x62: {  	[bflag:$0x3] =	sbarrier.arrive $0xFFFF  }
0x63: {  	_ =	shalt  }

</sc_bundles>
